<compile_context>
chip_gen: v7x
topology: tpu7x:2x2x1
jax: 0.10.2.dev20260603
libtpu: 0.0.44.dev20260713+nightly
codegen_flags: <defaults>
</compile_context>

<pallas_src>
import functools

import jax
import jax.numpy as jnp
from jax import lax
from jax.experimental import pallas as pl
from jax.experimental.pallas import tpu as pltpu
from jax.experimental.pallas import tpu_sc as plsc

N = 10000
D = 128
E = 320000
NC = 2
NS = 16
NW = NC * NS
EP = E // NW
C = 100
NCHUNK = EP // C
CDCH = 160
CDC = 128
NPAD = 10240
RPS = NPAD // NS
assert E == NW * NCHUNK * C and NCHUNK % 2 == 0
assert NW * CDCH * CDC == 2 * (E + 7680)

_mesh = plsc.VectorSubcoreMesh(
    core_axis_name="c", subcore_axis_name="s", num_cores=NC, num_subcores=NS)


@functools.partial(
    pl.kernel,
    out_type=jax.ShapeDtypeStruct((NC * 2 * NPAD,), jnp.float32),
    mesh=_mesh,
    compiler_params=pltpu.CompilerParams(use_tc_tiling_on_sc=False),
    scratch_types=[
        pltpu.VMEM((CDCH, CDC), jnp.int32),
        pltpu.VMEM((CDC,), jnp.float32),
        pltpu.VMEM((2 * RPS,), jnp.float32),
        pltpu.VMEM_SHARED((2 * NPAD,), jnp.float32),
    ],
)
def _degrees(idx_hbm, out_hbm, idx_v, ones_v, zz_v, hist_sh):
    cid = lax.axis_index("c")
    sid = lax.axis_index("s")
    wid = cid * NS + sid
    for i in range(CDC // 16):
        ones_v[pl.ds(i * 16, 16)] = jnp.ones((16,), jnp.float32)

    def zfill(i, carry):
        zz_v[pl.ds(i * 16, 16)] = jnp.zeros((16,), jnp.float32)
        return carry

    lax.fori_loop(0, 2 * RPS // 16, zfill, 0)
    pltpu.sync_copy(zz_v, hist_sh.at[pl.ds(sid * 2 * RPS, 2 * RPS)])
    pltpu.sync_copy(idx_hbm.at[wid], idx_v)
    plsc.subcore_barrier()

    def body(j, carry):
        pltpu.sync_copy(ones_v, hist_sh.at[idx_v.at[j]], add=True)
        return carry

    lax.fori_loop(0, CDCH, body, 0)
    plsc.subcore_barrier()
    sl = pl.ds(sid * 2 * RPS, 2 * RPS)
    pltpu.sync_copy(hist_sh.at[sl],
                    out_hbm.at[pl.ds(cid * 2 * NPAD + sid * 2 * RPS, 2 * RPS)])


@functools.partial(
    pl.kernel,
    out_type=jax.ShapeDtypeStruct((NC * NPAD, D), jnp.float32),
    mesh=_mesh,
    compiler_params=pltpu.CompilerParams(use_tc_tiling_on_sc=False),
    scratch_types=[
        pltpu.VMEM((NCHUNK, C), jnp.int32),
        pltpu.VMEM((NCHUNK, C), jnp.int32),
        pltpu.VMEM((C, D), jnp.float32),
        pltpu.VMEM((C, D), jnp.float32),
        pltpu.VMEM((16, D), jnp.float32),
        pltpu.VMEM_SHARED((NPAD, D), jnp.float32),
        pltpu.SemaphoreType.DMA,
        pltpu.SemaphoreType.DMA,
    ],
)
def _propagate(g_hbm, src_hbm, dst_hbm, out_hbm, src_v, dst_v, rows0, rows1,
               zz_v, acc_sh, sem0, sem1):
    cid = lax.axis_index("c")
    sid = lax.axis_index("s")
    wid = cid * NS + sid
    sl = pl.ds(sid * RPS, RPS)

    def fire(j, rows, sem):
        pltpu.make_async_copy(g_hbm.at[src_v.at[j]], rows, sem).start()

    def drain(j, rows, sem):
        pltpu.make_async_copy(g_hbm.at[src_v.at[j]], rows, sem).wait()
        pltpu.sync_copy(rows, acc_sh.at[dst_v.at[j]], add=True)

    pltpu.sync_copy(src_hbm.at[wid], src_v)
    pltpu.sync_copy(dst_hbm.at[wid], dst_v)
    fire(0, rows0, sem0)
    fire(1, rows1, sem1)
    zz_v[...] = jnp.zeros((16, D), jnp.float32)

    def zbody(r, carry):
        pltpu.sync_copy(zz_v, acc_sh.at[pl.ds(sid * RPS + r * 16, 16)])
        return carry

    lax.fori_loop(0, RPS // 16, zbody, 0)
    plsc.subcore_barrier()

    def body(i, carry):
        j = 2 * i
        drain(j, rows0, sem0)
        fire(j + 2, rows0, sem0)
        drain(j + 1, rows1, sem1)
        fire(j + 3, rows1, sem1)
        return carry

    lax.fori_loop(0, NCHUNK // 2 - 1, body, 0)
    drain(NCHUNK - 2, rows0, sem0)
    drain(NCHUNK - 1, rows1, sem1)
    plsc.subcore_barrier()
    pltpu.sync_copy(acc_sh.at[sl], out_hbm.at[pl.ds(cid * NPAD + sid * RPS, RPS)])


def _norms_prescale(degs, x):
    def body(deg_ref, x_ref, nout_ref, nin_ref, g0_ref):
        d_out = deg_ref[0] + deg_ref[2]
        d_in = deg_ref[1] + deg_ref[3]
        n_out = lax.rsqrt(jnp.maximum(d_out, 1.0))[:N]
        n_in = lax.rsqrt(jnp.maximum(d_in, 1.0))[:N]
        nout_ref[...] = n_out
        nin_ref[...] = n_in
        g0_ref[...] = x_ref[...] * n_out

    return pl.pallas_call(
        body,
        out_shape=[
            jax.ShapeDtypeStruct((N, 1), jnp.float32),
            jax.ShapeDtypeStruct((N, 1), jnp.float32),
            jax.ShapeDtypeStruct((N, D), jnp.float32),
        ],
    )(degs, x)


def _layer_mid(p, n_in, n_out, w, b):
    def body(p_ref, nin_ref, nout_ref, w_ref, b_ref, h_ref, g_ref):
        agg = (p_ref[pl.ds(0, N), :] + p_ref[pl.ds(NPAD, N), :]) * nin_ref[...]
        t = jnp.dot(agg, w_ref[...], preferred_element_type=jnp.float32)
        h = jnp.maximum(t + b_ref[...], 0.0)
        h_ref[...] = h
        g_ref[...] = h * nout_ref[...]

    return pl.pallas_call(
        body,
        out_shape=[
            jax.ShapeDtypeStruct((N, D), jnp.float32),
            jax.ShapeDtypeStruct((N, D), jnp.float32),
        ],
    )(p, n_in, n_out, w, b)


def _layer_out(p, n_in, w, b):
    def body(p_ref, nin_ref, w_ref, b_ref, h_ref):
        agg = (p_ref[pl.ds(0, N), :] + p_ref[pl.ds(NPAD, N), :]) * nin_ref[...]
        t = jnp.dot(agg, w_ref[...], preferred_element_type=jnp.float32)
        h_ref[...] = t + b_ref[...]

    return pl.pallas_call(
        body,
        out_shape=jax.ShapeDtypeStruct((N, D), jnp.float32),
    )(p, n_in, w, b)


def kernel(x, edge_index, W1, b1, W2, b2):
    src3 = edge_index[0].reshape(NW, NCHUNK, C)
    dst3 = edge_index[1].reshape(NW, NCHUNK, C)
    pad = jnp.full((2 * 7680,), NPAD - 1, jnp.int32)
    cat = jnp.concatenate([edge_index[0], edge_index[1] + NPAD, pad])
    idx3 = cat.reshape(NW, CDCH, CDC)
    degs = _degrees(idx3).reshape(NC * 2, NPAD, 1)
    n_out, n_in, g0 = _norms_prescale(degs, x)
    b1r = b1.reshape(1, D)
    b2r = b2.reshape(1, D)
    p = _propagate(g0, src3, dst3)
    h1, g1 = _layer_mid(p, n_in, n_out, W1, b1r)
    q = _propagate(g1, src3, dst3)
    h2 = _layer_out(q, n_in, W2, b2r)
    return (h1, h2)

# --- scband reference (transcript-rebuilt; emitter-appended) ---
"""Pipeline reference for scband-gcn-54494545051843 (READ-ONLY COPY).

The authoritative reference and input builder live on the scoring server;
editing this copy changes nothing except your own understanding.
"""

import jax, jax.numpy as jnp
import numpy as np

N = 10000
E = 320000
D = 128
H = 128


def setup_inputs(seed: int = 0) -> dict:
    key = jax.random.key(seed)
    k1, k2, k3, k4, k5, k6 = jax.random.split(key, 6)
    x = jax.random.normal(k1, (N, D), dtype=jnp.float32)
    edge_index = jax.random.randint(k2, (2, E), 0, N, dtype=jnp.int32)
    W1 = jax.random.normal(k3, (D, H), dtype=jnp.float32) * 0.05
    b1 = jnp.zeros((H,), dtype=jnp.float32)
    W2 = jax.random.normal(k4, (H, H), dtype=jnp.float32) * 0.05
    b2 = jnp.zeros((H,), dtype=jnp.float32)
    return {"x": x, "edge_index": edge_index, "W1": W1, "b1": b1, "W2": W2, "b2": b2}


def _gcn_conv(x, src, dst, W, b, n):
    # DGL GraphConv with norm='both': D_out^{-1/2} on src side, aggregate-sum to dst,
    # D_in^{-1/2} on dst side, then linear projection + bias.
    ones = jnp.ones((src.shape[0],), dtype=x.dtype)
    deg_out = jax.ops.segment_sum(ones, src, num_segments=n)
    deg_in = jax.ops.segment_sum(ones, dst, num_segments=n)
    norm_out = jnp.power(jnp.clip(deg_out, 1.0, None), -0.5)
    norm_in = jnp.power(jnp.clip(deg_in, 1.0, None), -0.5)
    h = x * norm_out[:, None]
    m = jnp.take(h, src, axis=0)
    agg = jax.ops.segment_sum(m, dst, num_segments=n)
    agg = agg * norm_in[:, None]
    return agg @ W + b


def reference(x, edge_index, W1, b1, W2, b2):
    src = edge_index[0]
    dst = edge_index[1]
    h = _gcn_conv(x, src, dst, W1, b1, N)
    h1 = jax.nn.relu(h)
    h2 = _gcn_conv(h1, src, dst, W2, b2, N)
    return (h1, h2)

if __name__ == "__main__":
    import jax
    _d = setup_inputs()
    print(jax.jit(kernel)(*tuple(_d.values())))

</pallas_src>

<mosaic_0001>
#map = affine_map<(d0, d1) -> (0, 0)>
#map1 = affine_map<(d0, d1) -> (0, 0, 0)>
module attributes {stable_mosaic.version = 14 : i64} {
  func.func @_propagate(%arg0: i32, %arg1: i32, %arg2: memref<10000x128xf32, #tpu.memory_space<hbm>>, %arg3: memref<32x100x100xi32, #tpu.memory_space<hbm>>, %arg4: memref<32x100x100xi32, #tpu.memory_space<hbm>>, %arg5: memref<20480x128xf32, #tpu.memory_space<hbm>>, %arg6: memref<100x100xi32, #tpu.memory_space<vmem>>, %arg7: memref<100x100xi32, #tpu.memory_space<vmem>>, %arg8: memref<100x128xf32, #tpu.memory_space<vmem>>, %arg9: memref<100x128xf32, #tpu.memory_space<vmem>>, %arg10: memref<16x128xf32, #tpu.memory_space<vmem>>, %arg11: memref<10240x128xf32, #tpu.memory_space<vmem_shared>>, %arg12: memref<!tpu.dma_semaphore, #tpu.memory_space<semaphore_mem>>, %arg13: memref<!tpu.dma_semaphore, #tpu.memory_space<semaphore_mem>>) attributes {dimension_semantics = [#tpu.dimension_semantics<core_parallel>, #tpu.dimension_semantics<subcore_parallel>], iteration_bounds = array<i64: 2, 16>, scalar_prefetch = 0 : i64, scratch_operands = 8 : i64, tpu.core_type = #tpu.core_type<sc_vector_subcore>, window_params = [{transform_indices = #map}, {transform_indices = #map1}, {transform_indices = #map1}, {transform_indices = #map}]} {
    %mul3A = arith.constant 16 : i32
    %mul3A_0 = arith.muli %arg0, %mul3A : i32
    %add3A = arith.addi %mul3A_0, %arg1 : i32
    %mul3A_1 = arith.constant 640 : i32
    %mul3A_2 = arith.muli %arg1, %mul3A_1 : i32
    "tpu.region"() ({
      %run_scoped3A_52 = tpu.sem_alloc : memref<!tpu.dma_semaphore, #tpu.memory_space<semaphore_mem>>
      %dma_start3A_53 = arith.constant 0 : i32
      %dma_start3A_54 = arith.constant 0 : i32
      %dma_start3A_55 = tpu.memref_slice %arg3[%add3A, %dma_start3A_53, %dma_start3A_54] : memref<32x100x100xi32, #tpu.memory_space<hbm>> -> memref<1x100x100xi32, #tpu.memory_space<hbm>>
      %dma_start3A_56 = tpu.memref_squeeze %dma_start3A_55 : memref<1x100x100xi32, #tpu.memory_space<hbm>> -> memref<100x100xi32, #tpu.memory_space<hbm>>
      %dma_start3A_57 = arith.constant 0 : i32
      %dma_start3A_58 = arith.constant 0 : i32
      %dma_start3A_59 = tpu.memref_slice %arg3[%add3A, %dma_start3A_57, %dma_start3A_58] : memref<32x100x100xi32, #tpu.memory_space<hbm>> -> memref<1x100x100xi32, #tpu.memory_space<hbm>>
      %dma_start3A_60 = tpu.memref_squeeze %dma_start3A_59 : memref<1x100x100xi32, #tpu.memory_space<hbm>> -> memref<100x100xi32, #tpu.memory_space<hbm>>
      tpu.enqueue_dma source(%dma_start3A_60 : memref<100x100xi32, #tpu.memory_space<hbm>>) target(%arg6 : memref<100x100xi32, #tpu.memory_space<vmem>>) target_semaphore(%run_scoped3A_52 : memref<!tpu.dma_semaphore, #tpu.memory_space<semaphore_mem>>)
      %dma_wait3A_61 = arith.constant 0 : i32
      %dma_wait3A_62 = arith.constant 0 : i32
      %dma_wait3A_63 = tpu.memref_slice %arg3[%add3A, %dma_wait3A_61, %dma_wait3A_62] : memref<32x100x100xi32, #tpu.memory_space<hbm>> -> memref<1x100x100xi32, #tpu.memory_space<hbm>>
      %dma_wait3A_64 = tpu.memref_squeeze %dma_wait3A_63 : memref<1x100x100xi32, #tpu.memory_space<hbm>> -> memref<100x100xi32, #tpu.memory_space<hbm>>
      %dma_wait3A_65 = arith.constant 0 : i32
      %dma_wait3A_66 = arith.constant 0 : i32
      %dma_wait3A_67 = tpu.memref_slice %arg3[%add3A, %dma_wait3A_65, %dma_wait3A_66] : memref<32x100x100xi32, #tpu.memory_space<hbm>> -> memref<1x100x100xi32, #tpu.memory_space<hbm>>
      %dma_wait3A_68 = tpu.memref_squeeze %dma_wait3A_67 : memref<1x100x100xi32, #tpu.memory_space<hbm>> -> memref<100x100xi32, #tpu.memory_space<hbm>>
      tpu.wait_dma2 semaphore(%run_scoped3A_52 : memref<!tpu.dma_semaphore, #tpu.memory_space<semaphore_mem>>) src(%dma_wait3A_68 : memref<100x100xi32, #tpu.memory_space<hbm>>) dst(%arg6 : memref<100x100xi32, #tpu.memory_space<vmem>>)
      tpu.yield
    }) : () -> ()
    "tpu.region"() ({
      %run_scoped3A_52 = tpu.sem_alloc : memref<!tpu.dma_semaphore, #tpu.memory_space<semaphore_mem>>
      %dma_start3A_53 = arith.constant 0 : i32
      %dma_start3A_54 = arith.constant 0 : i32
      %dma_start3A_55 = tpu.memref_slice %arg4[%add3A, %dma_start3A_53, %dma_start3A_54] : memref<32x100x100xi32, #tpu.memory_space<hbm>> -> memref<1x100x100xi32, #tpu.memory_space<hbm>>
      %dma_start3A_56 = tpu.memref_squeeze %dma_start3A_55 : memref<1x100x100xi32, #tpu.memory_space<hbm>> -> memref<100x100xi32, #tpu.memory_space<hbm>>
      %dma_start3A_57 = arith.constant 0 : i32
      %dma_start3A_58 = arith.constant 0 : i32
      %dma_start3A_59 = tpu.memref_slice %arg4[%add3A, %dma_start3A_57, %dma_start3A_58] : memref<32x100x100xi32, #tpu.memory_space<hbm>> -> memref<1x100x100xi32, #tpu.memory_space<hbm>>
      %dma_start3A_60 = tpu.memref_squeeze %dma_start3A_59 : memref<1x100x100xi32, #tpu.memory_space<hbm>> -> memref<100x100xi32, #tpu.memory_space<hbm>>
      tpu.enqueue_dma source(%dma_start3A_60 : memref<100x100xi32, #tpu.memory_space<hbm>>) target(%arg7 : memref<100x100xi32, #tpu.memory_space<vmem>>) target_semaphore(%run_scoped3A_52 : memref<!tpu.dma_semaphore, #tpu.memory_space<semaphore_mem>>)
      %dma_wait3A_61 = arith.constant 0 : i32
      %dma_wait3A_62 = arith.constant 0 : i32
      %dma_wait3A_63 = tpu.memref_slice %arg4[%add3A, %dma_wait3A_61, %dma_wait3A_62] : memref<32x100x100xi32, #tpu.memory_space<hbm>> -> memref<1x100x100xi32, #tpu.memory_space<hbm>>
      %dma_wait3A_64 = tpu.memref_squeeze %dma_wait3A_63 : memref<1x100x100xi32, #tpu.memory_space<hbm>> -> memref<100x100xi32, #tpu.memory_space<hbm>>
      %dma_wait3A_65 = arith.constant 0 : i32
      %dma_wait3A_66 = arith.constant 0 : i32
      %dma_wait3A_67 = tpu.memref_slice %arg4[%add3A, %dma_wait3A_65, %dma_wait3A_66] : memref<32x100x100xi32, #tpu.memory_space<hbm>> -> memref<1x100x100xi32, #tpu.memory_space<hbm>>
      %dma_wait3A_68 = tpu.memref_squeeze %dma_wait3A_67 : memref<1x100x100xi32, #tpu.memory_space<hbm>> -> memref<100x100xi32, #tpu.memory_space<hbm>>
      tpu.wait_dma2 semaphore(%run_scoped3A_52 : memref<!tpu.dma_semaphore, #tpu.memory_space<semaphore_mem>>) src(%dma_wait3A_68 : memref<100x100xi32, #tpu.memory_space<hbm>>) dst(%arg7 : memref<100x100xi32, #tpu.memory_space<vmem>>)
      tpu.yield
    }) : () -> ()
    %dma_start3A = arith.constant 0 : i32
    %dma_start3A_3 = arith.constant 0 : i32
    %dma_start3A_4 = tpu.memref_slice %arg6[%dma_start3A, %dma_start3A_3] : memref<100x100xi32, #tpu.memory_space<vmem>> -> memref<1x100xi32, #tpu.memory_space<vmem>>
    %dma_start3A_5 = tpu.memref_squeeze %dma_start3A_4 : memref<1x100xi32, #tpu.memory_space<vmem>> -> memref<100xi32, #tpu.memory_space<vmem>>
    %dma_start3A_6 = arith.constant 0 : i32
    %dma_start3A_7 = arith.constant 0 : i32
    %dma_start3A_8 = tpu.memref_slice %arg2[%dma_start3A_6, %dma_start3A_7] : memref<10000x128xf32, #tpu.memory_space<hbm>> -> memref<10000x128xf32, #tpu.memory_space<hbm>>
    tpu.enqueue_indirect_dma source(%dma_start3A_8 : memref<10000x128xf32, #tpu.memory_space<hbm>>) target(%arg8 : memref<100x128xf32, #tpu.memory_space<vmem>>) offsets(%dma_start3A_5 : memref<100xi32, #tpu.memory_space<vmem>>) semaphore(%arg12 : memref<!tpu.dma_semaphore, #tpu.memory_space<semaphore_mem>>)
    %dma_start3A_9 = arith.constant 1 : i32
    %dma_start3A_10 = arith.constant 0 : i32
    %dma_start3A_11 = tpu.memref_slice %arg6[%dma_start3A_9, %dma_start3A_10] : memref<100x100xi32, #tpu.memory_space<vmem>> -> memref<1x100xi32, #tpu.memory_space<vmem>>
    %dma_start3A_12 = tpu.memref_squeeze %dma_start3A_11 : memref<1x100xi32, #tpu.memory_space<vmem>> -> memref<100xi32, #tpu.memory_space<vmem>>
    %dma_start3A_13 = arith.constant 0 : i32
    %dma_start3A_14 = arith.constant 0 : i32
    %dma_start3A_15 = tpu.memref_slice %arg2[%dma_start3A_13, %dma_start3A_14] : memref<10000x128xf32, #tpu.memory_space<hbm>> -> memref<10000x128xf32, #tpu.memory_space<hbm>>
    tpu.enqueue_indirect_dma source(%dma_start3A_15 : memref<10000x128xf32, #tpu.memory_space<hbm>>) target(%arg9 : memref<100x128xf32, #tpu.memory_space<vmem>>) offsets(%dma_start3A_12 : memref<100xi32, #tpu.memory_space<vmem>>) semaphore(%arg13 : memref<!tpu.dma_semaphore, #tpu.memory_space<semaphore_mem>>)
    %broadcast_in_dim3A = arith.constant 0.000000e+00 : f32
    %broadcast_in_dim3A_16 = vector.broadcast %broadcast_in_dim3A : f32 to vector<16x128xf32>
    %swap3A = arith.constant 0 : index
    %swap3A_17 = arith.constant 0 : index
    %swap3A_18 = tpu.vector_load %arg10[%swap3A, %swap3A_17] {strides = array<i32>} : memref<16x128xf32, #tpu.memory_space<vmem>>, vector<16x128xf32>,
    %swap3A_19 = vector.shape_cast %swap3A_18 : vector<16x128xf32> to vector<16x128xf32>
    %swap3A_20 = vector.shape_cast %broadcast_in_dim3A_16 : vector<16x128xf32> to vector<16x128xf32>
    tpu.vector_store %arg10[%swap3A, %swap3A_17], %swap3A_20 {strides = array<i32>} : memref<16x128xf32, #tpu.memory_space<vmem>>, vector<16x128xf32>,
    %scan3A = arith.constant 0 : i32
    %scan3A_21 = arith.constant 0 : i32
    %scan3A_22 = arith.constant 40 : i32
    %scan3A_23 = arith.addi %scan3A_21, %scan3A_22 : i32
    %scan3A_24 = arith.constant 1 : i32
    scf.for %scan3A_52 = %scan3A_21 to %scan3A_23 step %scan3A_24  : i32 {
      %mul3A_53 = arith.constant 640 : i32
      %mul3A_54 = arith.muli %arg1, %mul3A_53 : i32
      %mul3A_55 = arith.constant 16 : i32
      %mul3A_56 = arith.muli %scan3A_52, %mul3A_55 : i32
      %add3A_57 = arith.addi %mul3A_54, %mul3A_56 : i32
      "tpu.region"() ({
        %run_scoped3A_58 = tpu.sem_alloc : memref<!tpu.dma_semaphore, #tpu.memory_space<semaphore_mem>>
        %dma_start3A_59 = arith.constant 0 : i32
        %dma_start3A_60 = tpu.memref_slice %arg11[%add3A_57, %dma_start3A_59] : memref<10240x128xf32, #tpu.memory_space<vmem_shared>> -> memref<16x128xf32, #tpu.memory_space<vmem_shared>>
        %dma_start3A_61 = arith.constant 0 : i32
        %dma_start3A_62 = tpu.memref_slice %arg11[%add3A_57, %dma_start3A_61] : memref<10240x128xf32, #tpu.memory_space<vmem_shared>> -> memref<16x128xf32, #tpu.memory_space<vmem_shared>>
        tpu.enqueue_dma source(%arg10 : memref<16x128xf32, #tpu.memory_space<vmem>>) target(%dma_start3A_62 : memref<16x128xf32, #tpu.memory_space<vmem_shared>>) target_semaphore(%run_scoped3A_58 : memref<!tpu.dma_semaphore, #tpu.memory_space<semaphore_mem>>)
        %dma_wait3A_63 = arith.constant 0 : i32
        %dma_wait3A_64 = tpu.memref_slice %arg11[%add3A_57, %dma_wait3A_63] : memref<10240x128xf32, #tpu.memory_space<vmem_shared>> -> memref<16x128xf32, #tpu.memory_space<vmem_shared>>
        %dma_wait3A_65 = arith.constant 0 : i32
        %dma_wait3A_66 = tpu.memref_slice %arg11[%add3A_57, %dma_wait3A_65] : memref<10240x128xf32, #tpu.memory_space<vmem_shared>> -> memref<16x128xf32, #tpu.memory_space<vmem_shared>>
        tpu.wait_dma2 semaphore(%run_scoped3A_58 : memref<!tpu.dma_semaphore, #tpu.memory_space<semaphore_mem>>) src(%arg10 : memref<16x128xf32, #tpu.memory_space<vmem>>) dst(%dma_wait3A_66 : memref<16x128xf32, #tpu.memory_space<vmem_shared>>)
        tpu.yield
      }) : () -> ()
    }
    %scan3A_25 = arith.constant 40 : i32
    %barrier3A = arith.constant 0 : index
    tpu.barrier barrier_id(%barrier3A)
    %scan3A_26 = arith.constant 0 : i32
    %scan3A_27 = arith.constant 0 : i32
    %scan3A_28 = arith.constant 49 : i32
    %scan3A_29 = arith.addi %scan3A_27, %scan3A_28 : i32
    %scan3A_30 = arith.constant 1 : i32
    scf.for %scan3A_52 = %scan3A_27 to %scan3A_29 step %scan3A_30  : i32 {
      %mul3A_53 = arith.constant 2 : i32
      %mul3A_54 = arith.muli %mul3A_53, %scan3A_52 : i32
      %dma_wait3A_55 = arith.constant 0 : i32
      %dma_wait3A_56 = tpu.memref_slice %arg6[%mul3A_54, %dma_wait3A_55] : memref<100x100xi32, #tpu.memory_space<vmem>> -> memref<1x100xi32, #tpu.memory_space<vmem>>
      %dma_wait3A_57 = tpu.memref_squeeze %dma_wait3A_56 : memref<1x100xi32, #tpu.memory_space<vmem>> -> memref<100xi32, #tpu.memory_space<vmem>>
      %dma_wait3A_58 = arith.constant 0 : i32
      %dma_wait3A_59 = arith.constant 0 : i32
      %dma_wait3A_60 = tpu.memref_slice %arg2[%dma_wait3A_58, %dma_wait3A_59] : memref<10000x128xf32, #tpu.memory_space<hbm>> -> memref<10000x128xf32, #tpu.memory_space<hbm>>
      tpu.wait_indirect_dma semaphore(%arg12 : memref<!tpu.dma_semaphore, #tpu.memory_space<semaphore_mem>>) src(%dma_wait3A_60 : memref<10000x128xf32, #tpu.memory_space<hbm>>) dst(%arg8 : memref<100x128xf32, #tpu.memory_space<vmem>>)
      "tpu.region"() ({
        %run_scoped3A_85 = tpu.sem_alloc : memref<!tpu.dma_semaphore, #tpu.memory_space<semaphore_mem>>
        %dma_start3A_86 = arith.constant 0 : i32
        %dma_start3A_87 = tpu.memref_slice %arg7[%mul3A_54, %dma_start3A_86] : memref<100x100xi32, #tpu.memory_space<vmem>> -> memref<1x100xi32, #tpu.memory_space<vmem>>
        %dma_start3A_88 = tpu.memref_squeeze %dma_start3A_87 : memref<1x100xi32, #tpu.memory_space<vmem>> -> memref<100xi32, #tpu.memory_space<vmem>>
        %dma_start3A_89 = arith.constant 0 : i32
        %dma_start3A_90 = arith.constant 0 : i32
        %dma_start3A_91 = tpu.memref_slice %arg11[%dma_start3A_89, %dma_start3A_90] : memref<10240x128xf32, #tpu.memory_space<vmem_shared>> -> memref<10240x128xf32, #tpu.memory_space<vmem_shared>>
        tpu.enqueue_indirect_dma source(%arg8 : memref<100x128xf32, #tpu.memory_space<vmem>>) target(%dma_start3A_91 : memref<10240x128xf32, #tpu.memory_space<vmem_shared>>) offsets(%dma_start3A_88 : memref<100xi32, #tpu.memory_space<vmem>>) semaphore(%run_scoped3A_85 : memref<!tpu.dma_semaphore, #tpu.memory_space<semaphore_mem>>) {add = true}
        %dma_wait3A_92 = arith.constant 0 : i32
        %dma_wait3A_93 = tpu.memref_slice %arg7[%mul3A_54, %dma_wait3A_92] : memref<100x100xi32, #tpu.memory_space<vmem>> -> memref<1x100xi32, #tpu.memory_space<vmem>>
        %dma_wait3A_94 = tpu.memref_squeeze %dma_wait3A_93 : memref<1x100xi32, #tpu.memory_space<vmem>> -> memref<100xi32, #tpu.memory_space<vmem>>
        %dma_wait3A_95 = arith.constant 0 : i32
        %dma_wait3A_96 = arith.constant 0 : i32
        %dma_wait3A_97 = tpu.memref_slice %arg11[%dma_wait3A_95, %dma_wait3A_96] : memref<10240x128xf32, #tpu.memory_space<vmem_shared>> -> memref<10240x128xf32, #tpu.memory_space<vmem_shared>>
        tpu.wait_indirect_dma semaphore(%run_scoped3A_85 : memref<!tpu.dma_semaphore, #tpu.memory_space<semaphore_mem>>) src(%arg8 : memref<100x128xf32, #tpu.memory_space<vmem>>) dst(%dma_wait3A_97 : memref<10240x128xf32, #tpu.memory_space<vmem_shared>>)
        tpu.yield
      }) : () -> ()
      %add3A_61 = arith.constant 2 : i32
      %add3A_62 = arith.addi %mul3A_54, %add3A_61 : i32
      %dma_start3A_63 = arith.constant 0 : i32
      %dma_start3A_64 = tpu.memref_slice %arg6[%add3A_62, %dma_start3A_63] : memref<100x100xi32, #tpu.memory_space<vmem>> -> memref<1x100xi32, #tpu.memory_space<vmem>>
      %dma_start3A_65 = tpu.memref_squeeze %dma_start3A_64 : memref<1x100xi32, #tpu.memory_space<vmem>> -> memref<100xi32, #tpu.memory_space<vmem>>
      %dma_start3A_66 = arith.constant 0 : i32
      %dma_start3A_67 = arith.constant 0 : i32
      %dma_start3A_68 = tpu.memref_slice %arg2[%dma_start3A_66, %dma_start3A_67] : memref<10000x128xf32, #tpu.memory_space<hbm>> -> memref<10000x128xf32, #tpu.memory_space<hbm>>
      tpu.enqueue_indirect_dma source(%dma_start3A_68 : memref<10000x128xf32, #tpu.memory_space<hbm>>) target(%arg8 : memref<100x128xf32, #tpu.memory_space<vmem>>) offsets(%dma_start3A_65 : memref<100xi32, #tpu.memory_space<vmem>>) semaphore(%arg12 : memref<!tpu.dma_semaphore, #tpu.memory_space<semaphore_mem>>)
      %add3A_69 = arith.constant 1 : i32
      %add3A_70 = arith.addi %mul3A_54, %add3A_69 : i32
      %dma_wait3A_71 = arith.constant 0 : i32
      %dma_wait3A_72 = tpu.memref_slice %arg6[%add3A_70, %dma_wait3A_71] : memref<100x100xi32, #tpu.memory_space<vmem>> -> memref<1x100xi32, #tpu.memory_space<vmem>>
      %dma_wait3A_73 = tpu.memref_squeeze %dma_wait3A_72 : memref<1x100xi32, #tpu.memory_space<vmem>> -> memref<100xi32, #tpu.memory_space<vmem>>
      %dma_wait3A_74 = arith.constant 0 : i32
      %dma_wait3A_75 = arith.constant 0 : i32
      %dma_wait3A_76 = tpu.memref_slice %arg2[%dma_wait3A_74, %dma_wait3A_75] : memref<10000x128xf32, #tpu.memory_space<hbm>> -> memref<10000x128xf32, #tpu.memory_space<hbm>>
      tpu.wait_indirect_dma semaphore(%arg13 : memref<!tpu.dma_semaphore, #tpu.memory_space<semaphore_mem>>) src(%dma_wait3A_76 : memref<10000x128xf32, #tpu.memory_space<hbm>>) dst(%arg9 : memref<100x128xf32, #tpu.memory_space<vmem>>)
      "tpu.region"() ({
        %run_scoped3A_85 = tpu.sem_alloc : memref<!tpu.dma_semaphore, #tpu.memory_space<semaphore_mem>>
        %dma_start3A_86 = arith.constant 0 : i32
        %dma_start3A_87 = tpu.memref_slice %arg7[%add3A_70, %dma_start3A_86] : memref<100x100xi32, #tpu.memory_space<vmem>> -> memref<1x100xi32, #tpu.memory_space<vmem>>
        %dma_start3A_88 = tpu.memref_squeeze %dma_start3A_87 : memref<1x100xi32, #tpu.memory_space<vmem>> -> memref<100xi32, #tpu.memory_space<vmem>>
        %dma_start3A_89 = arith.constant 0 : i32
        %dma_start3A_90 = arith.constant 0 : i32
        %dma_start3A_91 = tpu.memref_slice %arg11[%dma_start3A_89, %dma_start3A_90] : memref<10240x128xf32, #tpu.memory_space<vmem_shared>> -> memref<10240x128xf32, #tpu.memory_space<vmem_shared>>
        tpu.enqueue_indirect_dma source(%arg9 : memref<100x128xf32, #tpu.memory_space<vmem>>) target(%dma_start3A_91 : memref<10240x128xf32, #tpu.memory_space<vmem_shared>>) offsets(%dma_start3A_88 : memref<100xi32, #tpu.memory_space<vmem>>) semaphore(%run_scoped3A_85 : memref<!tpu.dma_semaphore, #tpu.memory_space<semaphore_mem>>) {add = true}
        %dma_wait3A_92 = arith.constant 0 : i32
        %dma_wait3A_93 = tpu.memref_slice %arg7[%add3A_70, %dma_wait3A_92] : memref<100x100xi32, #tpu.memory_space<vmem>> -> memref<1x100xi32, #tpu.memory_space<vmem>>
        %dma_wait3A_94 = tpu.memref_squeeze %dma_wait3A_93 : memref<1x100xi32, #tpu.memory_space<vmem>> -> memref<100xi32, #tpu.memory_space<vmem>>
        %dma_wait3A_95 = arith.constant 0 : i32
        %dma_wait3A_96 = arith.constant 0 : i32
        %dma_wait3A_97 = tpu.memref_slice %arg11[%dma_wait3A_95, %dma_wait3A_96] : memref<10240x128xf32, #tpu.memory_space<vmem_shared>> -> memref<10240x128xf32, #tpu.memory_space<vmem_shared>>
        tpu.wait_indirect_dma semaphore(%run_scoped3A_85 : memref<!tpu.dma_semaphore, #tpu.memory_space<semaphore_mem>>) src(%arg9 : memref<100x128xf32, #tpu.memory_space<vmem>>) dst(%dma_wait3A_97 : memref<10240x128xf32, #tpu.memory_space<vmem_shared>>)
        tpu.yield
      }) : () -> ()
      %add3A_77 = arith.constant 3 : i32
      %add3A_78 = arith.addi %mul3A_54, %add3A_77 : i32
      %dma_start3A_79 = arith.constant 0 : i32
      %dma_start3A_80 = tpu.memref_slice %arg6[%add3A_78, %dma_start3A_79] : memref<100x100xi32, #tpu.memory_space<vmem>> -> memref<1x100xi32, #tpu.memory_space<vmem>>
      %dma_start3A_81 = tpu.memref_squeeze %dma_start3A_80 : memref<1x100xi32, #tpu.memory_space<vmem>> -> memref<100xi32, #tpu.memory_space<vmem>>
      %dma_start3A_82 = arith.constant 0 : i32
      %dma_start3A_83 = arith.constant 0 : i32
      %dma_start3A_84 = tpu.memref_slice %arg2[%dma_start3A_82, %dma_start3A_83] : memref<10000x128xf32, #tpu.memory_space<hbm>> -> memref<10000x128xf32, #tpu.memory_space<hbm>>
      tpu.enqueue_indirect_dma source(%dma_start3A_84 : memref<10000x128xf32, #tpu.memory_space<hbm>>) target(%arg9 : memref<100x128xf32, #tpu.memory_space<vmem>>) offsets(%dma_start3A_81 : memref<100xi32, #tpu.memory_space<vmem>>) semaphore(%arg13 : memref<!tpu.dma_semaphore, #tpu.memory_space<semaphore_mem>>)
    }
    %scan3A_31 = arith.constant 49 : i32
    %dma_wait3A = arith.constant 98 : i32
    %dma_wait3A_32 = arith.constant 0 : i32
    %dma_wait3A_33 = tpu.memref_slice %arg6[%dma_wait3A, %dma_wait3A_32] : memref<100x100xi32, #tpu.memory_space<vmem>> -> memref<1x100xi32, #tpu.memory_space<vmem>>
    %dma_wait3A_34 = tpu.memref_squeeze %dma_wait3A_33 : memref<1x100xi32, #tpu.memory_space<vmem>> -> memref<100xi32, #tpu.memory_space<vmem>>
    %dma_wait3A_35 = arith.constant 0 : i32
    %dma_wait3A_36 = arith.constant 0 : i32
    %dma_wait3A_37 = tpu.memref_slice %arg2[%dma_wait3A_35, %dma_wait3A_36] : memref<10000x128xf32, #tpu.memory_space<hbm>> -> memref<10000x128xf32, #tpu.memory_space<hbm>>
    tpu.wait_indirect_dma semaphore(%arg12 : memref<!tpu.dma_semaphore, #tpu.memory_space<semaphore_mem>>) src(%dma_wait3A_37 : memref<10000x128xf32, #tpu.memory_space<hbm>>) dst(%arg8 : memref<100x128xf32, #tpu.memory_space<vmem>>)
    %run_scoped3A = arith.constant 98 : i32
    "tpu.region"() ({
      %run_scoped3A_52 = tpu.sem_alloc : memref<!tpu.dma_semaphore, #tpu.memory_space<semaphore_mem>>
      %dma_start3A_53 = arith.constant 0 : i32
      %dma_start3A_54 = tpu.memref_slice %arg7[%run_scoped3A, %dma_start3A_53] : memref<100x100xi32, #tpu.memory_space<vmem>> -> memref<1x100xi32, #tpu.memory_space<vmem>>
      %dma_start3A_55 = tpu.memref_squeeze %dma_start3A_54 : memref<1x100xi32, #tpu.memory_space<vmem>> -> memref<100xi32, #tpu.memory_space<vmem>>
      %dma_start3A_56 = arith.constant 0 : i32
      %dma_start3A_57 = arith.constant 0 : i32
      %dma_start3A_58 = tpu.memref_slice %arg11[%dma_start3A_56, %dma_start3A_57] : memref<10240x128xf32, #tpu.memory_space<vmem_shared>> -> memref<10240x128xf32, #tpu.memory_space<vmem_shared>>
      tpu.enqueue_indirect_dma source(%arg8 : memref<100x128xf32, #tpu.memory_space<vmem>>) target(%dma_start3A_58 : memref<10240x128xf32, #tpu.memory_space<vmem_shared>>) offsets(%dma_start3A_55 : memref<100xi32, #tpu.memory_space<vmem>>) semaphore(%run_scoped3A_52 : memref<!tpu.dma_semaphore, #tpu.memory_space<semaphore_mem>>) {add = true}
      %dma_wait3A_59 = arith.constant 0 : i32
      %dma_wait3A_60 = tpu.memref_slice %arg7[%run_scoped3A, %dma_wait3A_59] : memref<100x100xi32, #tpu.memory_space<vmem>> -> memref<1x100xi32, #tpu.memory_space<vmem>>
      %dma_wait3A_61 = tpu.memref_squeeze %dma_wait3A_60 : memref<1x100xi32, #tpu.memory_space<vmem>> -> memref<100xi32, #tpu.memory_space<vmem>>
      %dma_wait3A_62 = arith.constant 0 : i32
      %dma_wait3A_63 = arith.constant 0 : i32
      %dma_wait3A_64 = tpu.memref_slice %arg11[%dma_wait3A_62, %dma_wait3A_63] : memref<10240x128xf32, #tpu.memory_space<vmem_shared>> -> memref<10240x128xf32, #tpu.memory_space<vmem_shared>>
      tpu.wait_indirect_dma semaphore(%run_scoped3A_52 : memref<!tpu.dma_semaphore, #tpu.memory_space<semaphore_mem>>) src(%arg8 : memref<100x128xf32, #tpu.memory_space<vmem>>) dst(%dma_wait3A_64 : memref<10240x128xf32, #tpu.memory_space<vmem_shared>>)
      tpu.yield
    }) : () -> ()
    %dma_wait3A_38 = arith.constant 99 : i32
    %dma_wait3A_39 = arith.constant 0 : i32
    %dma_wait3A_40 = tpu.memref_slice %arg6[%dma_wait3A_38, %dma_wait3A_39] : memref<100x100xi32, #tpu.memory_space<vmem>> -> memref<1x100xi32, #tpu.memory_space<vmem>>
    %dma_wait3A_41 = tpu.memref_squeeze %dma_wait3A_40 : memref<1x100xi32, #tpu.memory_space<vmem>> -> memref<100xi32, #tpu.memory_space<vmem>>
    %dma_wait3A_42 = arith.constant 0 : i32
    %dma_wait3A_43 = arith.constant 0 : i32
    %dma_wait3A_44 = tpu.memref_slice %arg2[%dma_wait3A_42, %dma_wait3A_43] : memref<10000x128xf32, #tpu.memory_space<hbm>> -> memref<10000x128xf32, #tpu.memory_space<hbm>>
    tpu.wait_indirect_dma semaphore(%arg13 : memref<!tpu.dma_semaphore, #tpu.memory_space<semaphore_mem>>) src(%dma_wait3A_44 : memref<10000x128xf32, #tpu.memory_space<hbm>>) dst(%arg9 : memref<100x128xf32, #tpu.memory_space<vmem>>)
    %run_scoped3A_45 = arith.constant 99 : i32
    "tpu.region"() ({
      %run_scoped3A_52 = tpu.sem_alloc : memref<!tpu.dma_semaphore, #tpu.memory_space<semaphore_mem>>
      %dma_start3A_53 = arith.constant 0 : i32
      %dma_start3A_54 = tpu.memref_slice %arg7[%run_scoped3A_45, %dma_start3A_53] : memref<100x100xi32, #tpu.memory_space<vmem>> -> memref<1x100xi32, #tpu.memory_space<vmem>>
      %dma_start3A_55 = tpu.memref_squeeze %dma_start3A_54 : memref<1x100xi32, #tpu.memory_space<vmem>> -> memref<100xi32, #tpu.memory_space<vmem>>
      %dma_start3A_56 = arith.constant 0 : i32
      %dma_start3A_57 = arith.constant 0 : i32
      %dma_start3A_58 = tpu.memref_slice %arg11[%dma_start3A_56, %dma_start3A_57] : memref<10240x128xf32, #tpu.memory_space<vmem_shared>> -> memref<10240x128xf32, #tpu.memory_space<vmem_shared>>
      tpu.enqueue_indirect_dma source(%arg9 : memref<100x128xf32, #tpu.memory_space<vmem>>) target(%dma_start3A_58 : memref<10240x128xf32, #tpu.memory_space<vmem_shared>>) offsets(%dma_start3A_55 : memref<100xi32, #tpu.memory_space<vmem>>) semaphore(%run_scoped3A_52 : memref<!tpu.dma_semaphore, #tpu.memory_space<semaphore_mem>>) {add = true}
      %dma_wait3A_59 = arith.constant 0 : i32
      %dma_wait3A_60 = tpu.memref_slice %arg7[%run_scoped3A_45, %dma_wait3A_59] : memref<100x100xi32, #tpu.memory_space<vmem>> -> memref<1x100xi32, #tpu.memory_space<vmem>>
      %dma_wait3A_61 = tpu.memref_squeeze %dma_wait3A_60 : memref<1x100xi32, #tpu.memory_space<vmem>> -> memref<100xi32, #tpu.memory_space<vmem>>
      %dma_wait3A_62 = arith.constant 0 : i32
      %dma_wait3A_63 = arith.constant 0 : i32
      %dma_wait3A_64 = tpu.memref_slice %arg11[%dma_wait3A_62, %dma_wait3A_63] : memref<10240x128xf32, #tpu.memory_space<vmem_shared>> -> memref<10240x128xf32, #tpu.memory_space<vmem_shared>>
      tpu.wait_indirect_dma semaphore(%run_scoped3A_52 : memref<!tpu.dma_semaphore, #tpu.memory_space<semaphore_mem>>) src(%arg9 : memref<100x128xf32, #tpu.memory_space<vmem>>) dst(%dma_wait3A_64 : memref<10240x128xf32, #tpu.memory_space<vmem_shared>>)
      tpu.yield
    }) : () -> ()
    %barrier3A_46 = arith.constant 0 : index
    tpu.barrier barrier_id(%barrier3A_46)
    %mul3A_47 = arith.constant 10240 : i32
    %mul3A_48 = arith.muli %arg0, %mul3A_47 : i32
    %mul3A_49 = arith.constant 640 : i32
    %mul3A_50 = arith.muli %arg1, %mul3A_49 : i32
    %add3A_51 = arith.addi %mul3A_48, %mul3A_50 : i32
    "tpu.region"() ({
      %run_scoped3A_52 = tpu.sem_alloc : memref<!tpu.dma_semaphore, #tpu.memory_space<semaphore_mem>>
      %dma_start3A_53 = arith.constant 0 : i32
      %dma_start3A_54 = tpu.memref_slice %arg5[%add3A_51, %dma_start3A_53] : memref<20480x128xf32, #tpu.memory_space<hbm>> -> memref<640x128xf32, #tpu.memory_space<hbm>>
      %dma_start3A_55 = arith.constant 0 : i32
      %dma_start3A_56 = tpu.memref_slice %arg11[%mul3A_2, %dma_start3A_55] : memref<10240x128xf32, #tpu.memory_space<vmem_shared>> -> memref<640x128xf32, #tpu.memory_space<vmem_shared>>
      tpu.enqueue_dma source(%dma_start3A_56 : memref<640x128xf32, #tpu.memory_space<vmem_shared>>) target(%dma_start3A_54 : memref<640x128xf32, #tpu.memory_space<hbm>>) target_semaphore(%run_scoped3A_52 : memref<!tpu.dma_semaphore, #tpu.memory_space<semaphore_mem>>)
      %dma_wait3A_57 = arith.constant 0 : i32
      %dma_wait3A_58 = tpu.memref_slice %arg5[%add3A_51, %dma_wait3A_57] : memref<20480x128xf32, #tpu.memory_space<hbm>> -> memref<640x128xf32, #tpu.memory_space<hbm>>
      %dma_wait3A_59 = arith.constant 0 : i32
      %dma_wait3A_60 = tpu.memref_slice %arg11[%mul3A_2, %dma_wait3A_59] : memref<10240x128xf32, #tpu.memory_space<vmem_shared>> -> memref<640x128xf32, #tpu.memory_space<vmem_shared>>
      tpu.wait_dma2 semaphore(%run_scoped3A_52 : memref<!tpu.dma_semaphore, #tpu.memory_space<semaphore_mem>>) src(%dma_wait3A_60 : memref<640x128xf32, #tpu.memory_space<vmem_shared>>) dst(%dma_wait3A_58 : memref<640x128xf32, #tpu.memory_space<hbm>>)
      tpu.yield
    }) : () -> ()
    return
  }
}

#map = affine_map<(d0, d1) -> (0, 0)>
#map1 = affine_map<(d0, d1) -> (0, 0, 0)>
module attributes {stable_mosaic.version = 14 : i64} {
  func.func @_propagate(%arg0: i32, %arg1: i32, %arg2: memref<10000x128xf32, #tpu.memory_space<hbm>>, %arg3: memref<32x100x100xi32, #tpu.memory_space<hbm>>, %arg4: memref<32x100x100xi32, #tpu.memory_space<hbm>>, %arg5: memref<20480x128xf32, #tpu.memory_space<hbm>>, %arg6: memref<100x100xi32, #tpu.memory_space<vmem>>, %arg7: memref<100x100xi32, #tpu.memory_space<vmem>>, %arg8: memref<100x128xf32, #tpu.memory_space<vmem>>, %arg9: memref<100x128xf32, #tpu.memory_space<vmem>>, %arg10: memref<16x128xf32, #tpu.memory_space<vmem>>, %arg11: memref<10240x128xf32, #tpu.memory_space<vmem_shared>>, %arg12: memref<!tpu.dma_semaphore, #tpu.memory_space<semaphore_mem>>, %arg13: memref<!tpu.dma_semaphore, #tpu.memory_space<semaphore_mem>>) attributes {dimension_semantics = [#tpu.dimension_semantics<core_parallel>, #tpu.dimension_semantics<subcore_parallel>], iteration_bounds = array<i64: 2, 16>, scalar_prefetch = 0 : i64, scratch_operands = 8 : i64, tpu.core_type = #tpu.core_type<sc_vector_subcore>, window_params = [{transform_indices = #map}, {transform_indices = #map1}, {transform_indices = #map1}, {transform_indices = #map}]} {
    %mul3A = arith.constant 16 : i32
    %mul3A_0 = arith.muli %arg0, %mul3A : i32
    %add3A = arith.addi %mul3A_0, %arg1 : i32
    %mul3A_1 = arith.constant 640 : i32
    %mul3A_2 = arith.muli %arg1, %mul3A_1 : i32
    "tpu.region"() ({
      %run_scoped3A_52 = tpu.sem_alloc : memref<!tpu.dma_semaphore, #tpu.memory_space<semaphore_mem>>
      %dma_start3A_53 = arith.constant 0 : i32
      %dma_start3A_54 = arith.constant 0 : i32
      %dma_start3A_55 = tpu.memref_slice %arg3[%add3A, %dma_start3A_53, %dma_start3A_54] : memref<32x100x100xi32, #tpu.memory_space<hbm>> -> memref<1x100x100xi32, #tpu.memory_space<hbm>>
      %dma_start3A_56 = tpu.memref_squeeze %dma_start3A_55 : memref<1x100x100xi32, #tpu.memory_space<hbm>> -> memref<100x100xi32, #tpu.memory_space<hbm>>
      %dma_start3A_57 = arith.constant 0 : i32
      %dma_start3A_58 = arith.constant 0 : i32
      %dma_start3A_59 = tpu.memref_slice %arg3[%add3A, %dma_start3A_57, %dma_start3A_58] : memref<32x100x100xi32, #tpu.memory_space<hbm>> -> memref<1x100x100xi32, #tpu.memory_space<hbm>>
      %dma_start3A_60 = tpu.memref_squeeze %dma_start3A_59 : memref<1x100x100xi32, #tpu.memory_space<hbm>> -> memref<100x100xi32, #tpu.memory_space<hbm>>
      tpu.enqueue_dma source(%dma_start3A_60 : memref<100x100xi32, #tpu.memory_space<hbm>>) target(%arg6 : memref<100x100xi32, #tpu.memory_space<vmem>>) target_semaphore(%run_scoped3A_52 : memref<!tpu.dma_semaphore, #tpu.memory_space<semaphore_mem>>)
      %dma_wait3A_61 = arith.constant 0 : i32
      %dma_wait3A_62 = arith.constant 0 : i32
      %dma_wait3A_63 = tpu.memref_slice %arg3[%add3A, %dma_wait3A_61, %dma_wait3A_62] : memref<32x100x100xi32, #tpu.memory_space<hbm>> -> memref<1x100x100xi32, #tpu.memory_space<hbm>>
      %dma_wait3A_64 = tpu.memref_squeeze %dma_wait3A_63 : memref<1x100x100xi32, #tpu.memory_space<hbm>> -> memref<100x100xi32, #tpu.memory_space<hbm>>
      %dma_wait3A_65 = arith.constant 0 : i32
      %dma_wait3A_66 = arith.constant 0 : i32
      %dma_wait3A_67 = tpu.memref_slice %arg3[%add3A, %dma_wait3A_65, %dma_wait3A_66] : memref<32x100x100xi32, #tpu.memory_space<hbm>> -> memref<1x100x100xi32, #tpu.memory_space<hbm>>
      %dma_wait3A_68 = tpu.memref_squeeze %dma_wait3A_67 : memref<1x100x100xi32, #tpu.memory_space<hbm>> -> memref<100x100xi32, #tpu.memory_space<hbm>>
      tpu.wait_dma2 semaphore(%run_scoped3A_52 : memref<!tpu.dma_semaphore, #tpu.memory_space<semaphore_mem>>) src(%dma_wait3A_68 : memref<100x100xi32, #tpu.memory_space<hbm>>) dst(%arg6 : memref<100x100xi32, #tpu.memory_space<vmem>>)
      tpu.yield
    }) : () -> ()
    "tpu.region"() ({
      %run_scoped3A_52 = tpu.sem_alloc : memref<!tpu.dma_semaphore, #tpu.memory_space<semaphore_mem>>
      %dma_start3A_53 = arith.constant 0 : i32
      %dma_start3A_54 = arith.constant 0 : i32
      %dma_start3A_55 = tpu.memref_slice %arg4[%add3A, %dma_start3A_53, %dma_start3A_54] : memref<32x100x100xi32, #tpu.memory_space<hbm>> -> memref<1x100x100xi32, #tpu.memory_space<hbm>>
      %dma_start3A_56 = tpu.memref_squeeze %dma_start3A_55 : memref<1x100x100xi32, #tpu.memory_space<hbm>> -> memref<100x100xi32, #tpu.memory_space<hbm>>
      %dma_start3A_57 = arith.constant 0 : i32
      %dma_start3A_58 = arith.constant 0 : i32
      %dma_start3A_59 = tpu.memref_slice %arg4[%add3A, %dma_start3A_57, %dma_start3A_58] : memref<32x100x100xi32, #tpu.memory_space<hbm>> -> memref<1x100x100xi32, #tpu.memory_space<hbm>>
      %dma_start3A_60 = tpu.memref_squeeze %dma_start3A_59 : memref<1x100x100xi32, #tpu.memory_space<hbm>> -> memref<100x100xi32, #tpu.memory_space<hbm>>
      tpu.enqueue_dma source(%dma_start3A_60 : memref<100x100xi32, #tpu.memory_space<hbm>>) target(%arg7 : memref<100x100xi32, #tpu.memory_space<vmem>>) target_semaphore(%run_scoped3A_52 : memref<!tpu.dma_semaphore, #tpu.memory_space<semaphore_mem>>)
      %dma_wait3A_61 = arith.constant 0 : i32
      %dma_wait3A_62 = arith.constant 0 : i32
      %dma_wait3A_63 = tpu.memref_slice %arg4[%add3A, %dma_wait3A_61, %dma_wait3A_62] : memref<32x100x100xi32, #tpu.memory_space<hbm>> -> memref<1x100x100xi32, #tpu.memory_space<hbm>>
      %dma_wait3A_64 = tpu.memref_squeeze %dma_wait3A_63 : memref<1x100x100xi32, #tpu.memory_space<hbm>> -> memref<100x100xi32, #tpu.memory_space<hbm>>
      %dma_wait3A_65 = arith.constant 0 : i32
      %dma_wait3A_66 = arith.constant 0 : i32
      %dma_wait3A_67 = tpu.memref_slice %arg4[%add3A, %dma_wait3A_65, %dma_wait3A_66] : memref<32x100x100xi32, #tpu.memory_space<hbm>> -> memref<1x100x100xi32, #tpu.memory_space<hbm>>
      %dma_wait3A_68 = tpu.memref_squeeze %dma_wait3A_67 : memref<1x100x100xi32, #tpu.memory_space<hbm>> -> memref<100x100xi32, #tpu.memory_space<hbm>>
      tpu.wait_dma2 semaphore(%run_scoped3A_52 : memref<!tpu.dma_semaphore, #tpu.memory_space<semaphore_mem>>) src(%dma_wait3A_68 : memref<100x100xi32, #tpu.memory_space<hbm>>) dst(%arg7 : memref<100x100xi32, #tpu.memory_space<vmem>>)
      tpu.yield
    }) : () -> ()
    %dma_start3A = arith.constant 0 : i32
    %dma_start3A_3 = arith.constant 0 : i32
    %dma_start3A_4 = tpu.memref_slice %arg6[%dma_start3A, %dma_start3A_3] : memref<100x100xi32, #tpu.memory_space<vmem>> -> memref<1x100xi32, #tpu.memory_space<vmem>>
    %dma_start3A_5 = tpu.memref_squeeze %dma_start3A_4 : memref<1x100xi32, #tpu.memory_space<vmem>> -> memref<100xi32, #tpu.memory_space<vmem>>
    %dma_start3A_6 = arith.constant 0 : i32
    %dma_start3A_7 = arith.constant 0 : i32
    %dma_start3A_8 = tpu.memref_slice %arg2[%dma_start3A_6, %dma_start3A_7] : memref<10000x128xf32, #tpu.memory_space<hbm>> -> memref<10000x128xf32, #tpu.memory_space<hbm>>
    tpu.enqueue_indirect_dma source(%dma_start3A_8 : memref<10000x128xf32, #tpu.memory_space<hbm>>) target(%arg8 : memref<100x128xf32, #tpu.memory_space<vmem>>) offsets(%dma_start3A_5 : memref<100xi32, #tpu.memory_space<vmem>>) semaphore(%arg12 : memref<!tpu.dma_semaphore, #tpu.memory_space<semaphore_mem>>)
    %dma_start3A_9 = arith.constant 1 : i32
    %dma_start3A_10 = arith.constant 0 : i32
    %dma_start3A_11 = tpu.memref_slice %arg6[%dma_start3A_9, %dma_start3A_10] : memref<100x100xi32, #tpu.memory_space<vmem>> -> memref<1x100xi32, #tpu.memory_space<vmem>>
    %dma_start3A_12 = tpu.memref_squeeze %dma_start3A_11 : memref<1x100xi32, #tpu.memory_space<vmem>> -> memref<100xi32, #tpu.memory_space<vmem>>
    %dma_start3A_13 = arith.constant 0 : i32
    %dma_start3A_14 = arith.constant 0 : i32
    %dma_start3A_15 = tpu.memref_slice %arg2[%dma_start3A_13, %dma_start3A_14] : memref<10000x128xf32, #tpu.memory_space<hbm>> -> memref<10000x128xf32, #tpu.memory_space<hbm>>
    tpu.enqueue_indirect_dma source(%dma_start3A_15 : memref<10000x128xf32, #tpu.memory_space<hbm>>) target(%arg9 : memref<100x128xf32, #tpu.memory_space<vmem>>) offsets(%dma_start3A_12 : memref<100xi32, #tpu.memory_space<vmem>>) semaphore(%arg13 : memref<!tpu.dma_semaphore, #tpu.memory_space<semaphore_mem>>)
    %broadcast_in_dim3A = arith.constant 0.000000e+00 : f32
    %broadcast_in_dim3A_16 = vector.broadcast %broadcast_in_dim3A : f32 to vector<16x128xf32>
    %swap3A = arith.constant 0 : index
    %swap3A_17 = arith.constant 0 : index
    %swap3A_18 = tpu.vector_load %arg10[%swap3A, %swap3A_17] {strides = array<i32>} : memref<16x128xf32, #tpu.memory_space<vmem>>, vector<16x128xf32>,
    %swap3A_19 = vector.shape_cast %swap3A_18 : vector<16x128xf32> to vector<16x128xf32>
    %swap3A_20 = vector.shape_cast %broadcast_in_dim3A_16 : vector<16x128xf32> to vector<16x128xf32>
    tpu.vector_store %arg10[%swap3A, %swap3A_17], %swap3A_20 {strides = array<i32>} : memref<16x128xf32, #tpu.memory_space<vmem>>, vector<16x128xf32>,
    %scan3A = arith.constant 0 : i32
    %scan3A_21 = arith.constant 0 : i32
    %scan3A_22 = arith.constant 40 : i32
    %scan3A_23 = arith.addi %scan3A_21, %scan3A_22 : i32
    %scan3A_24 = arith.constant 1 : i32
    scf.for %scan3A_52 = %scan3A_21 to %scan3A_23 step %scan3A_24  : i32 {
      %mul3A_53 = arith.constant 640 : i32
      %mul3A_54 = arith.muli %arg1, %mul3A_53 : i32
      %mul3A_55 = arith.constant 16 : i32
      %mul3A_56 = arith.muli %scan3A_52, %mul3A_55 : i32
      %add3A_57 = arith.addi %mul3A_54, %mul3A_56 : i32
      "tpu.region"() ({
        %run_scoped3A_58 = tpu.sem_alloc : memref<!tpu.dma_semaphore, #tpu.memory_space<semaphore_mem>>
        %dma_start3A_59 = arith.constant 0 : i32
        %dma_start3A_60 = tpu.memref_slice %arg11[%add3A_57, %dma_start3A_59] : memref<10240x128xf32, #tpu.memory_space<vmem_shared>> -> memref<16x128xf32, #tpu.memory_space<vmem_shared>>
        %dma_start3A_61 = arith.constant 0 : i32
        %dma_start3A_62 = tpu.memref_slice %arg11[%add3A_57, %dma_start3A_61] : memref<10240x128xf32, #tpu.memory_space<vmem_shared>> -> memref<16x128xf32, #tpu.memory_space<vmem_shared>>
        tpu.enqueue_dma source(%arg10 : memref<16x128xf32, #tpu.memory_space<vmem>>) target(%dma_start3A_62 : memref<16x128xf32, #tpu.memory_space<vmem_shared>>) target_semaphore(%run_scoped3A_58 : memref<!tpu.dma_semaphore, #tpu.memory_space<semaphore_mem>>)
        %dma_wait3A_63 = arith.constant 0 : i32
        %dma_wait3A_64 = tpu.memref_slice %arg11[%add3A_57, %dma_wait3A_63] : memref<10240x128xf32, #tpu.memory_space<vmem_shared>> -> memref<16x128xf32, #tpu.memory_space<vmem_shared>>
        %dma_wait3A_65 = arith.constant 0 : i32
        %dma_wait3A_66 = tpu.memref_slice %arg11[%add3A_57, %dma_wait3A_65] : memref<10240x128xf32, #tpu.memory_space<vmem_shared>> -> memref<16x128xf32, #tpu.memory_space<vmem_shared>>
        tpu.wait_dma2 semaphore(%run_scoped3A_58 : memref<!tpu.dma_semaphore, #tpu.memory_space<semaphore_mem>>) src(%arg10 : memref<16x128xf32, #tpu.memory_space<vmem>>) dst(%dma_wait3A_66 : memref<16x128xf32, #tpu.memory_space<vmem_shared>>)
        tpu.yield
      }) : () -> ()
    }
    %scan3A_25 = arith.constant 40 : i32
    %barrier3A = arith.constant 0 : index
    tpu.barrier barrier_id(%barrier3A)
    %scan3A_26 = arith.constant 0 : i32
    %scan3A_27 = arith.constant 0 : i32
    %scan3A_28 = arith.constant 49 : i32
    %scan3A_29 = arith.addi %scan3A_27, %scan3A_28 : i32
    %scan3A_30 = arith.constant 1 : i32
    scf.for %scan3A_52 = %scan3A_27 to %scan3A_29 step %scan3A_30  : i32 {
      %mul3A_53 = arith.constant 2 : i32
      %mul3A_54 = arith.muli %mul3A_53, %scan3A_52 : i32
      %dma_wait3A_55 = arith.constant 0 : i32
      %dma_wait3A_56 = tpu.memref_slice %arg6[%mul3A_54, %dma_wait3A_55] : memref<100x100xi32, #tpu.memory_space<vmem>> -> memref<1x100xi32, #tpu.memory_space<vmem>>
      %dma_wait3A_57 = tpu.memref_squeeze %dma_wait3A_56 : memref<1x100xi32, #tpu.memory_space<vmem>> -> memref<100xi32, #tpu.memory_space<vmem>>
      %dma_wait3A_58 = arith.constant 0 : i32
      %dma_wait3A_59 = arith.constant 0 : i32
      %dma_wait3A_60 = tpu.memref_slice %arg2[%dma_wait3A_58, %dma_wait3A_59] : memref<10000x128xf32, #tpu.memory_space<hbm>> -> memref<10000x128xf32, #tpu.memory_space<hbm>>
      tpu.wait_indirect_dma semaphore(%arg12 : memref<!tpu.dma_semaphore, #tpu.memory_space<semaphore_mem>>) src(%dma_wait3A_60 : memref<10000x128xf32, #tpu.memory_space<hbm>>) dst(%arg8 : memref<100x128xf32, #tpu.memory_space<vmem>>)
      "tpu.region"() ({
        %run_scoped3A_85 = tpu.sem_alloc : memref<!tpu.dma_semaphore, #tpu.memory_space<semaphore_mem>>
        %dma_start3A_86 = arith.constant 0 : i32
        %dma_start3A_87 = tpu.memref_slice %arg7[%mul3A_54, %dma_start3A_86] : memref<100x100xi32, #tpu.memory_space<vmem>> -> memref<1x100xi32, #tpu.memory_space<vmem>>
        %dma_start3A_88 = tpu.memref_squeeze %dma_start3A_87 : memref<1x100xi32, #tpu.memory_space<vmem>> -> memref<100xi32, #tpu.memory_space<vmem>>
        %dma_start3A_89 = arith.constant 0 : i32
        %dma_start3A_90 = arith.constant 0 : i32
        %dma_start3A_91 = tpu.memref_slice %arg11[%dma_start3A_89, %dma_start3A_90] : memref<10240x128xf32, #tpu.memory_space<vmem_shared>> -> memref<10240x128xf32, #tpu.memory_space<vmem_shared>>
        tpu.enqueue_indirect_dma source(%arg8 : memref<100x128xf32, #tpu.memory_space<vmem>>) target(%dma_start3A_91 : memref<10240x128xf32, #tpu.memory_space<vmem_shared>>) offsets(%dma_start3A_88 : memref<100xi32, #tpu.memory_space<vmem>>) semaphore(%run_scoped3A_85 : memref<!tpu.dma_semaphore, #tpu.memory_space<semaphore_mem>>) {add = true}
        %dma_wait3A_92 = arith.constant 0 : i32
        %dma_wait3A_93 = tpu.memref_slice %arg7[%mul3A_54, %dma_wait3A_92] : memref<100x100xi32, #tpu.memory_space<vmem>> -> memref<1x100xi32, #tpu.memory_space<vmem>>
        %dma_wait3A_94 = tpu.memref_squeeze %dma_wait3A_93 : memref<1x100xi32, #tpu.memory_space<vmem>> -> memref<100xi32, #tpu.memory_space<vmem>>
        %dma_wait3A_95 = arith.constant 0 : i32
        %dma_wait3A_96 = arith.constant 0 : i32
        %dma_wait3A_97 = tpu.memref_slice %arg11[%dma_wait3A_95, %dma_wait3A_96] : memref<10240x128xf32, #tpu.memory_space<vmem_shared>> -> memref<10240x128xf32, #tpu.memory_space<vmem_shared>>
        tpu.wait_indirect_dma semaphore(%run_scoped3A_85 : memref<!tpu.dma_semaphore, #tpu.memory_space<semaphore_mem>>) src(%arg8 : memref<100x128xf32, #tpu.memory_space<vmem>>) dst(%dma_wait3A_97 : memref<10240x128xf32, #tpu.memory_space<vmem_shared>>)
        tpu.yield
      }) : () -> ()
      %add3A_61 = arith.constant 2 : i32
      %add3A_62 = arith.addi %mul3A_54, %add3A_61 : i32
      %dma_start3A_63 = arith.constant 0 : i32
      %dma_start3A_64 = tpu.memref_slice %arg6[%add3A_62, %dma_start3A_63] : memref<100x100xi32, #tpu.memory_space<vmem>> -> memref<1x100xi32, #tpu.memory_space<vmem>>
      %dma_start3A_65 = tpu.memref_squeeze %dma_start3A_64 : memref<1x100xi32, #tpu.memory_space<vmem>> -> memref<100xi32, #tpu.memory_space<vmem>>
      %dma_start3A_66 = arith.constant 0 : i32
      %dma_start3A_67 = arith.constant 0 : i32
      %dma_start3A_68 = tpu.memref_slice %arg2[%dma_start3A_66, %dma_start3A_67] : memref<10000x128xf32, #tpu.memory_space<hbm>> -> memref<10000x128xf32, #tpu.memory_space<hbm>>
      tpu.enqueue_indirect_dma source(%dma_start3A_68 : memref<10000x128xf32, #tpu.memory_space<hbm>>) target(%arg8 : memref<100x128xf32, #tpu.memory_space<vmem>>) offsets(%dma_start3A_65 : memref<100xi32, #tpu.memory_space<vmem>>) semaphore(%arg12 : memref<!tpu.dma_semaphore, #tpu.memory_space<semaphore_mem>>)
      %add3A_69 = arith.constant 1 : i32
      %add3A_70 = arith.addi %mul3A_54, %add3A_69 : i32
      %dma_wait3A_71 = arith.constant 0 : i32
      %dma_wait3A_72 = tpu.memref_slice %arg6[%add3A_70, %dma_wait3A_71] : memref<100x100xi32, #tpu.memory_space<vmem>> -> memref<1x100xi32, #tpu.memory_space<vmem>>
      %dma_wait3A_73 = tpu.memref_squeeze %dma_wait3A_72 : memref<1x100xi32, #tpu.memory_space<vmem>> -> memref<100xi32, #tpu.memory_space<vmem>>
      %dma_wait3A_74 = arith.constant 0 : i32
      %dma_wait3A_75 = arith.constant 0 : i32
      %dma_wait3A_76 = tpu.memref_slice %arg2[%dma_wait3A_74, %dma_wait3A_75] : memref<10000x128xf32, #tpu.memory_space<hbm>> -> memref<10000x128xf32, #tpu.memory_space<hbm>>
      tpu.wait_indirect_dma semaphore(%arg13 : memref<!tpu.dma_semaphore, #tpu.memory_space<semaphore_mem>>) src(%dma_wait3A_76 : memref<10000x128xf32, #tpu.memory_space<hbm>>) dst(%arg9 : memref<100x128xf32, #tpu.memory_space<vmem>>)
      "tpu.region"() ({
        %run_scoped3A_85 = tpu.sem_alloc : memref<!tpu.dma_semaphore, #tpu.memory_space<semaphore_mem>>
        %dma_start3A_86 = arith.constant 0 : i32
        %dma_start3A_87 = tpu.memref_slice %arg7[%add3A_70, %dma_start3A_86] : memref<100x100xi32, #tpu.memory_space<vmem>> -> memref<1x100xi32, #tpu.memory_space<vmem>>
        %dma_start3A_88 = tpu.memref_squeeze %dma_start3A_87 : memref<1x100xi32, #tpu.memory_space<vmem>> -> memref<100xi32, #tpu.memory_space<vmem>>
        %dma_start3A_89 = arith.constant 0 : i32
        %dma_start3A_90 = arith.constant 0 : i32
        %dma_start3A_91 = tpu.memref_slice %arg11[%dma_start3A_89, %dma_start3A_90] : memref<10240x128xf32, #tpu.memory_space<vmem_shared>> -> memref<10240x128xf32, #tpu.memory_space<vmem_shared>>
        tpu.enqueue_indirect_dma source(%arg9 : memref<100x128xf32, #tpu.memory_space<vmem>>) target(%dma_start3A_91 : memref<10240x128xf32, #tpu.memory_space<vmem_shared>>) offsets(%dma_start3A_88 : memref<100xi32, #tpu.memory_space<vmem>>) semaphore(%run_scoped3A_85 : memref<!tpu.dma_semaphore, #tpu.memory_space<semaphore_mem>>) {add = true}
        %dma_wait3A_92 = arith.constant 0 : i32
        %dma_wait3A_93 = tpu.memref_slice %arg7[%add3A_70, %dma_wait3A_92] : memref<100x100xi32, #tpu.memory_space<vmem>> -> memref<1x100xi32, #tpu.memory_space<vmem>>
        %dma_wait3A_94 = tpu.memref_squeeze %dma_wait3A_93 : memref<1x100xi32, #tpu.memory_space<vmem>> -> memref<100xi32, #tpu.memory_space<vmem>>
        %dma_wait3A_95 = arith.constant 0 : i32
        %dma_wait3A_96 = arith.constant 0 : i32
        %dma_wait3A_97 = tpu.memref_slice %arg11[%dma_wait3A_95, %dma_wait3A_96] : memref<10240x128xf32, #tpu.memory_space<vmem_shared>> -> memref<10240x128xf32, #tpu.memory_space<vmem_shared>>
        tpu.wait_indirect_dma semaphore(%run_scoped3A_85 : memref<!tpu.dma_semaphore, #tpu.memory_space<semaphore_mem>>) src(%arg9 : memref<100x128xf32, #tpu.memory_space<vmem>>) dst(%dma_wait3A_97 : memref<10240x128xf32, #tpu.memory_space<vmem_shared>>)
        tpu.yield
      }) : () -> ()
      %add3A_77 = arith.constant 3 : i32
      %add3A_78 = arith.addi %mul3A_54, %add3A_77 : i32
      %dma_start3A_79 = arith.constant 0 : i32
      %dma_start3A_80 = tpu.memref_slice %arg6[%add3A_78, %dma_start3A_79] : memref<100x100xi32, #tpu.memory_space<vmem>> -> memref<1x100xi32, #tpu.memory_space<vmem>>
      %dma_start3A_81 = tpu.memref_squeeze %dma_start3A_80 : memref<1x100xi32, #tpu.memory_space<vmem>> -> memref<100xi32, #tpu.memory_space<vmem>>
      %dma_start3A_82 = arith.constant 0 : i32
      %dma_start3A_83 = arith.constant 0 : i32
      %dma_start3A_84 = tpu.memref_slice %arg2[%dma_start3A_82, %dma_start3A_83] : memref<10000x128xf32, #tpu.memory_space<hbm>> -> memref<10000x128xf32, #tpu.memory_space<hbm>>
      tpu.enqueue_indirect_dma source(%dma_start3A_84 : memref<10000x128xf32, #tpu.memory_space<hbm>>) target(%arg9 : memref<100x128xf32, #tpu.memory_space<vmem>>) offsets(%dma_start3A_81 : memref<100xi32, #tpu.memory_space<vmem>>) semaphore(%arg13 : memref<!tpu.dma_semaphore, #tpu.memory_space<semaphore_mem>>)
    }
    %scan3A_31 = arith.constant 49 : i32
    %dma_wait3A = arith.constant 98 : i32
    %dma_wait3A_32 = arith.constant 0 : i32
    %dma_wait3A_33 = tpu.memref_slice %arg6[%dma_wait3A, %dma_wait3A_32] : memref<100x100xi32, #tpu.memory_space<vmem>> -> memref<1x100xi32, #tpu.memory_space<vmem>>
    %dma_wait3A_34 = tpu.memref_squeeze %dma_wait3A_33 : memref<1x100xi32, #tpu.memory_space<vmem>> -> memref<100xi32, #tpu.memory_space<vmem>>
    %dma_wait3A_35 = arith.constant 0 : i32
    %dma_wait3A_36 = arith.constant 0 : i32
    %dma_wait3A_37 = tpu.memref_slice %arg2[%dma_wait3A_35, %dma_wait3A_36] : memref<10000x128xf32, #tpu.memory_space<hbm>> -> memref<10000x128xf32, #tpu.memory_space<hbm>>
    tpu.wait_indirect_dma semaphore(%arg12 : memref<!tpu.dma_semaphore, #tpu.memory_space<semaphore_mem>>) src(%dma_wait3A_37 : memref<10000x128xf32, #tpu.memory_space<hbm>>) dst(%arg8 : memref<100x128xf32, #tpu.memory_space<vmem>>)
    %run_scoped3A = arith.constant 98 : i32
    "tpu.region"() ({
      %run_scoped3A_52 = tpu.sem_alloc : memref<!tpu.dma_semaphore, #tpu.memory_space<semaphore_mem>>
      %dma_start3A_53 = arith.constant 0 : i32
      %dma_start3A_54 = tpu.memref_slice %arg7[%run_scoped3A, %dma_start3A_53] : memref<100x100xi32, #tpu.memory_space<vmem>> -> memref<1x100xi32, #tpu.memory_space<vmem>>
      %dma_start3A_55 = tpu.memref_squeeze %dma_start3A_54 : memref<1x100xi32, #tpu.memory_space<vmem>> -> memref<100xi32, #tpu.memory_space<vmem>>
      %dma_start3A_56 = arith.constant 0 : i32
      %dma_start3A_57 = arith.constant 0 : i32
      %dma_start3A_58 = tpu.memref_slice %arg11[%dma_start3A_56, %dma_start3A_57] : memref<10240x128xf32, #tpu.memory_space<vmem_shared>> -> memref<10240x128xf32, #tpu.memory_space<vmem_shared>>
      tpu.enqueue_indirect_dma source(%arg8 : memref<100x128xf32, #tpu.memory_space<vmem>>) target(%dma_start3A_58 : memref<10240x128xf32, #tpu.memory_space<vmem_shared>>) offsets(%dma_start3A_55 : memref<100xi32, #tpu.memory_space<vmem>>) semaphore(%run_scoped3A_52 : memref<!tpu.dma_semaphore, #tpu.memory_space<semaphore_mem>>) {add = true}
      %dma_wait3A_59 = arith.constant 0 : i32
      %dma_wait3A_60 = tpu.memref_slice %arg7[%run_scoped3A, %dma_wait3A_59] : memref<100x100xi32, #tpu.memory_space<vmem>> -> memref<1x100xi32, #tpu.memory_space<vmem>>
      %dma_wait3A_61 = tpu.memref_squeeze %dma_wait3A_60 : memref<1x100xi32, #tpu.memory_space<vmem>> -> memref<100xi32, #tpu.memory_space<vmem>>
      %dma_wait3A_62 = arith.constant 0 : i32
      %dma_wait3A_63 = arith.constant 0 : i32
      %dma_wait3A_64 = tpu.memref_slice %arg11[%dma_wait3A_62, %dma_wait3A_63] : memref<10240x128xf32, #tpu.memory_space<vmem_shared>> -> memref<10240x128xf32, #tpu.memory_space<vmem_shared>>
      tpu.wait_indirect_dma semaphore(%run_scoped3A_52 : memref<!tpu.dma_semaphore, #tpu.memory_space<semaphore_mem>>) src(%arg8 : memref<100x128xf32, #tpu.memory_space<vmem>>) dst(%dma_wait3A_64 : memref<10240x128xf32, #tpu.memory_space<vmem_shared>>)
      tpu.yield
    }) : () -> ()
    %dma_wait3A_38 = arith.constant 99 : i32
    %dma_wait3A_39 = arith.constant 0 : i32
    %dma_wait3A_40 = tpu.memref_slice %arg6[%dma_wait3A_38, %dma_wait3A_39] : memref<100x100xi32, #tpu.memory_space<vmem>> -> memref<1x100xi32, #tpu.memory_space<vmem>>
    %dma_wait3A_41 = tpu.memref_squeeze %dma_wait3A_40 : memref<1x100xi32, #tpu.memory_space<vmem>> -> memref<100xi32, #tpu.memory_space<vmem>>
    %dma_wait3A_42 = arith.constant 0 : i32
    %dma_wait3A_43 = arith.constant 0 : i32
    %dma_wait3A_44 = tpu.memref_slice %arg2[%dma_wait3A_42, %dma_wait3A_43] : memref<10000x128xf32, #tpu.memory_space<hbm>> -> memref<10000x128xf32, #tpu.memory_space<hbm>>
    tpu.wait_indirect_dma semaphore(%arg13 : memref<!tpu.dma_semaphore, #tpu.memory_space<semaphore_mem>>) src(%dma_wait3A_44 : memref<10000x128xf32, #tpu.memory_space<hbm>>) dst(%arg9 : memref<100x128xf32, #tpu.memory_space<vmem>>)
    %run_scoped3A_45 = arith.constant 99 : i32
    "tpu.region"() ({
      %run_scoped3A_52 = tpu.sem_alloc : memref<!tpu.dma_semaphore, #tpu.memory_space<semaphore_mem>>
      %dma_start3A_53 = arith.constant 0 : i32
      %dma_start3A_54 = tpu.memref_slice %arg7[%run_scoped3A_45, %dma_start3A_53] : memref<100x100xi32, #tpu.memory_space<vmem>> -> memref<1x100xi32, #tpu.memory_space<vmem>>
      %dma_start3A_55 = tpu.memref_squeeze %dma_start3A_54 : memref<1x100xi32, #tpu.memory_space<vmem>> -> memref<100xi32, #tpu.memory_space<vmem>>
      %dma_start3A_56 = arith.constant 0 : i32
      %dma_start3A_57 = arith.constant 0 : i32
      %dma_start3A_58 = tpu.memref_slice %arg11[%dma_start3A_56, %dma_start3A_57] : memref<10240x128xf32, #tpu.memory_space<vmem_shared>> -> memref<10240x128xf32, #tpu.memory_space<vmem_shared>>
      tpu.enqueue_indirect_dma source(%arg9 : memref<100x128xf32, #tpu.memory_space<vmem>>) target(%dma_start3A_58 : memref<10240x128xf32, #tpu.memory_space<vmem_shared>>) offsets(%dma_start3A_55 : memref<100xi32, #tpu.memory_space<vmem>>) semaphore(%run_scoped3A_52 : memref<!tpu.dma_semaphore, #tpu.memory_space<semaphore_mem>>) {add = true}
      %dma_wait3A_59 = arith.constant 0 : i32
      %dma_wait3A_60 = tpu.memref_slice %arg7[%run_scoped3A_45, %dma_wait3A_59] : memref<100x100xi32, #tpu.memory_space<vmem>> -> memref<1x100xi32, #tpu.memory_space<vmem>>
      %dma_wait3A_61 = tpu.memref_squeeze %dma_wait3A_60 : memref<1x100xi32, #tpu.memory_space<vmem>> -> memref<100xi32, #tpu.memory_space<vmem>>
      %dma_wait3A_62 = arith.constant 0 : i32
      %dma_wait3A_63 = arith.constant 0 : i32
      %dma_wait3A_64 = tpu.memref_slice %arg11[%dma_wait3A_62, %dma_wait3A_63] : memref<10240x128xf32, #tpu.memory_space<vmem_shared>> -> memref<10240x128xf32, #tpu.memory_space<vmem_shared>>
      tpu.wait_indirect_dma semaphore(%run_scoped3A_52 : memref<!tpu.dma_semaphore, #tpu.memory_space<semaphore_mem>>) src(%arg9 : memref<100x128xf32, #tpu.memory_space<vmem>>) dst(%dma_wait3A_64 : memref<10240x128xf32, #tpu.memory_space<vmem_shared>>)
      tpu.yield
    }) : () -> ()
    %barrier3A_46 = arith.constant 0 : index
    tpu.barrier barrier_id(%barrier3A_46)
    %mul3A_47 = arith.constant 10240 : i32
    %mul3A_48 = arith.muli %arg0, %mul3A_47 : i32
    %mul3A_49 = arith.constant 640 : i32
    %mul3A_50 = arith.muli %arg1, %mul3A_49 : i32
    %add3A_51 = arith.addi %mul3A_48, %mul3A_50 : i32
    "tpu.region"() ({
      %run_scoped3A_52 = tpu.sem_alloc : memref<!tpu.dma_semaphore, #tpu.memory_space<semaphore_mem>>
      %dma_start3A_53 = arith.constant 0 : i32
      %dma_start3A_54 = tpu.memref_slice %arg5[%add3A_51, %dma_start3A_53] : memref<20480x128xf32, #tpu.memory_space<hbm>> -> memref<640x128xf32, #tpu.memory_space<hbm>>
      %dma_start3A_55 = arith.constant 0 : i32
      %dma_start3A_56 = tpu.memref_slice %arg11[%mul3A_2, %dma_start3A_55] : memref<10240x128xf32, #tpu.memory_space<vmem_shared>> -> memref<640x128xf32, #tpu.memory_space<vmem_shared>>
      tpu.enqueue_dma source(%dma_start3A_56 : memref<640x128xf32, #tpu.memory_space<vmem_shared>>) target(%dma_start3A_54 : memref<640x128xf32, #tpu.memory_space<hbm>>) target_semaphore(%run_scoped3A_52 : memref<!tpu.dma_semaphore, #tpu.memory_space<semaphore_mem>>)
      %dma_wait3A_57 = arith.constant 0 : i32
      %dma_wait3A_58 = tpu.memref_slice %arg5[%add3A_51, %dma_wait3A_57] : memref<20480x128xf32, #tpu.memory_space<hbm>> -> memref<640x128xf32, #tpu.memory_space<hbm>>
      %dma_wait3A_59 = arith.constant 0 : i32
      %dma_wait3A_60 = tpu.memref_slice %arg11[%mul3A_2, %dma_wait3A_59] : memref<10240x128xf32, #tpu.memory_space<vmem_shared>> -> memref<640x128xf32, #tpu.memory_space<vmem_shared>>
      tpu.wait_dma2 semaphore(%run_scoped3A_52 : memref<!tpu.dma_semaphore, #tpu.memory_space<semaphore_mem>>) src(%dma_wait3A_60 : memref<640x128xf32, #tpu.memory_space<vmem_shared>>) dst(%dma_wait3A_58 : memref<640x128xf32, #tpu.memory_space<hbm>>)
      tpu.yield
    }) : () -> ()
    return
  }
}

#map = affine_map<(d0, d1) -> (0, 0, 0)>
#map1 = affine_map<(d0, d1) -> (0)>
module attributes {stable_mosaic.version = 14 : i64} {
  func.func @_degrees(%arg0: i32, %arg1: i32, %arg2: memref<32x160x128xi32, #tpu.memory_space<hbm>>, %arg3: memref<40960xf32, #tpu.memory_space<hbm>>, %arg4: memref<160x128xi32, #tpu.memory_space<vmem>>, %arg5: memref<128xf32, #tpu.memory_space<vmem>>, %arg6: memref<1280xf32, #tpu.memory_space<vmem>>, %arg7: memref<20480xf32, #tpu.memory_space<vmem_shared>>) attributes {dimension_semantics = [#tpu.dimension_semantics<core_parallel>, #tpu.dimension_semantics<subcore_parallel>], iteration_bounds = array<i64: 2, 16>, scalar_prefetch = 0 : i64, scratch_operands = 4 : i64, tpu.core_type = #tpu.core_type<sc_vector_subcore>, window_params = [{transform_indices = #map}, {transform_indices = #map1}]} {
    %mul3A = arith.constant 16 : i32
    %mul3A_0 = arith.muli %arg0, %mul3A : i32
    %add3A = arith.addi %mul3A_0, %arg1 : i32
    %broadcast_in_dim3A = arith.constant 1.000000e+00 : f32
    %broadcast_in_dim3A_1 = vector.broadcast %broadcast_in_dim3A : f32 to vector<16xf32>
    %swap3A = arith.constant 0 : index
    %swap3A_2 = tpu.vector_load %arg5[%swap3A] {strides = array<i32>} : memref<128xf32, #tpu.memory_space<vmem>>, vector<16xf32>,
    %swap3A_3 = vector.shape_cast %swap3A_2 : vector<16xf32> to vector<16xf32>
    %swap3A_4 = vector.shape_cast %broadcast_in_dim3A_1 : vector<16xf32> to vector<16xf32>
    tpu.vector_store %arg5[%swap3A], %swap3A_4 {strides = array<i32>} : memref<128xf32, #tpu.memory_space<vmem>>, vector<16xf32>,
    %broadcast_in_dim3A_5 = arith.constant 1.000000e+00 : f32
    %broadcast_in_dim3A_6 = vector.broadcast %broadcast_in_dim3A_5 : f32 to vector<16xf32>
    %swap3A_7 = arith.constant 16 : index
    %swap3A_8 = tpu.vector_load %arg5[%swap3A_7] {strides = array<i32>} : memref<128xf32, #tpu.memory_space<vmem>>, vector<16xf32>,
    %swap3A_9 = vector.shape_cast %swap3A_8 : vector<16xf32> to vector<16xf32>
    %swap3A_10 = vector.shape_cast %broadcast_in_dim3A_6 : vector<16xf32> to vector<16xf32>
    tpu.vector_store %arg5[%swap3A_7], %swap3A_10 {strides = array<i32>} : memref<128xf32, #tpu.memory_space<vmem>>, vector<16xf32>,
    %broadcast_in_dim3A_11 = arith.constant 1.000000e+00 : f32
    %broadcast_in_dim3A_12 = vector.broadcast %broadcast_in_dim3A_11 : f32 to vector<16xf32>
    %swap3A_13 = arith.constant 32 : index
    %swap3A_14 = tpu.vector_load %arg5[%swap3A_13] {strides = array<i32>} : memref<128xf32, #tpu.memory_space<vmem>>, vector<16xf32>,
    %swap3A_15 = vector.shape_cast %swap3A_14 : vector<16xf32> to vector<16xf32>
    %swap3A_16 = vector.shape_cast %broadcast_in_dim3A_12 : vector<16xf32> to vector<16xf32>
    tpu.vector_store %arg5[%swap3A_13], %swap3A_16 {strides = array<i32>} : memref<128xf32, #tpu.memory_space<vmem>>, vector<16xf32>,
    %broadcast_in_dim3A_17 = arith.constant 1.000000e+00 : f32
    %broadcast_in_dim3A_18 = vector.broadcast %broadcast_in_dim3A_17 : f32 to vector<16xf32>
    %swap3A_19 = arith.constant 48 : index
    %swap3A_20 = tpu.vector_load %arg5[%swap3A_19] {strides = array<i32>} : memref<128xf32, #tpu.memory_space<vmem>>, vector<16xf32>,
    %swap3A_21 = vector.shape_cast %swap3A_20 : vector<16xf32> to vector<16xf32>
    %swap3A_22 = vector.shape_cast %broadcast_in_dim3A_18 : vector<16xf32> to vector<16xf32>
    tpu.vector_store %arg5[%swap3A_19], %swap3A_22 {strides = array<i32>} : memref<128xf32, #tpu.memory_space<vmem>>, vector<16xf32>,
    %broadcast_in_dim3A_23 = arith.constant 1.000000e+00 : f32
    %broadcast_in_dim3A_24 = vector.broadcast %broadcast_in_dim3A_23 : f32 to vector<16xf32>
    %swap3A_25 = arith.constant 64 : index
    %swap3A_26 = tpu.vector_load %arg5[%swap3A_25] {strides = array<i32>} : memref<128xf32, #tpu.memory_space<vmem>>, vector<16xf32>,
    %swap3A_27 = vector.shape_cast %swap3A_26 : vector<16xf32> to vector<16xf32>
    %swap3A_28 = vector.shape_cast %broadcast_in_dim3A_24 : vector<16xf32> to vector<16xf32>
    tpu.vector_store %arg5[%swap3A_25], %swap3A_28 {strides = array<i32>} : memref<128xf32, #tpu.memory_space<vmem>>, vector<16xf32>,
    %broadcast_in_dim3A_29 = arith.constant 1.000000e+00 : f32
    %broadcast_in_dim3A_30 = vector.broadcast %broadcast_in_dim3A_29 : f32 to vector<16xf32>
    %swap3A_31 = arith.constant 80 : index
    %swap3A_32 = tpu.vector_load %arg5[%swap3A_31] {strides = array<i32>} : memref<128xf32, #tpu.memory_space<vmem>>, vector<16xf32>,
    %swap3A_33 = vector.shape_cast %swap3A_32 : vector<16xf32> to vector<16xf32>
    %swap3A_34 = vector.shape_cast %broadcast_in_dim3A_30 : vector<16xf32> to vector<16xf32>
    tpu.vector_store %arg5[%swap3A_31], %swap3A_34 {strides = array<i32>} : memref<128xf32, #tpu.memory_space<vmem>>, vector<16xf32>,
    %broadcast_in_dim3A_35 = arith.constant 1.000000e+00 : f32
    %broadcast_in_dim3A_36 = vector.broadcast %broadcast_in_dim3A_35 : f32 to vector<16xf32>
    %swap3A_37 = arith.constant 96 : index
    %swap3A_38 = tpu.vector_load %arg5[%swap3A_37] {strides = array<i32>} : memref<128xf32, #tpu.memory_space<vmem>>, vector<16xf32>,
    %swap3A_39 = vector.shape_cast %swap3A_38 : vector<16xf32> to vector<16xf32>
    %swap3A_40 = vector.shape_cast %broadcast_in_dim3A_36 : vector<16xf32> to vector<16xf32>
    tpu.vector_store %arg5[%swap3A_37], %swap3A_40 {strides = array<i32>} : memref<128xf32, #tpu.memory_space<vmem>>, vector<16xf32>,
    %broadcast_in_dim3A_41 = arith.constant 1.000000e+00 : f32
    %broadcast_in_dim3A_42 = vector.broadcast %broadcast_in_dim3A_41 : f32 to vector<16xf32>
    %swap3A_43 = arith.constant 112 : index
    %swap3A_44 = tpu.vector_load %arg5[%swap3A_43] {strides = array<i32>} : memref<128xf32, #tpu.memory_space<vmem>>, vector<16xf32>,
    %swap3A_45 = vector.shape_cast %swap3A_44 : vector<16xf32> to vector<16xf32>
    %swap3A_46 = vector.shape_cast %broadcast_in_dim3A_42 : vector<16xf32> to vector<16xf32>
    tpu.vector_store %arg5[%swap3A_43], %swap3A_46 {strides = array<i32>} : memref<128xf32, #tpu.memory_space<vmem>>, vector<16xf32>,
    %scan3A = arith.constant 0 : i32
    %scan3A_47 = arith.constant 0 : i32
    %scan3A_48 = arith.constant 80 : i32
    %scan3A_49 = arith.addi %scan3A_47, %scan3A_48 : i32
    %scan3A_50 = arith.constant 1 : i32
    scf.for %scan3A_76 = %scan3A_47 to %scan3A_49 step %scan3A_50  : i32 {
      %broadcast_in_dim3A_77 = arith.constant 0.000000e+00 : f32
      %broadcast_in_dim3A_78 = vector.broadcast %broadcast_in_dim3A_77 : f32 to vector<16xf32>
      %mul3A_79 = arith.constant 16 : i32
      %mul3A_80 = arith.muli %scan3A_76, %mul3A_79 : i32
      %swap3A_81 = arith.index_cast %mul3A_80 : i32 to index
      %swap3A_82 = tpu.vector_load %arg6[%swap3A_81] {strides = array<i32>} : memref<1280xf32, #tpu.memory_space<vmem>>, vector<16xf32>,
      %swap3A_83 = vector.shape_cast %swap3A_82 : vector<16xf32> to vector<16xf32>
      %swap3A_84 = vector.shape_cast %broadcast_in_dim3A_78 : vector<16xf32> to vector<16xf32>
      tpu.vector_store %arg6[%swap3A_81], %swap3A_84 {strides = array<i32>} : memref<1280xf32, #tpu.memory_space<vmem>>, vector<16xf32>,
    }
    %scan3A_51 = arith.constant 80 : i32
    %mul3A_52 = arith.constant 2 : i32
    %mul3A_53 = arith.muli %arg1, %mul3A_52 : i32
    %mul3A_54 = arith.constant 640 : i32
    %mul3A_55 = arith.muli %mul3A_53, %mul3A_54 : i32
    "tpu.region"() ({
      %run_scoped3A = tpu.sem_alloc : memref<!tpu.dma_semaphore, #tpu.memory_space<semaphore_mem>>
      %dma_start3A = tpu.memref_slice %arg7[%mul3A_55] : memref<20480xf32, #tpu.memory_space<vmem_shared>> -> memref<1280xf32, #tpu.memory_space<vmem_shared>>
      %dma_start3A_76 = tpu.memref_slice %arg7[%mul3A_55] : memref<20480xf32, #tpu.memory_space<vmem_shared>> -> memref<1280xf32, #tpu.memory_space<vmem_shared>>
      tpu.enqueue_dma source(%arg6 : memref<1280xf32, #tpu.memory_space<vmem>>) target(%dma_start3A_76 : memref<1280xf32, #tpu.memory_space<vmem_shared>>) target_semaphore(%run_scoped3A : memref<!tpu.dma_semaphore, #tpu.memory_space<semaphore_mem>>)
      %dma_wait3A = tpu.memref_slice %arg7[%mul3A_55] : memref<20480xf32, #tpu.memory_space<vmem_shared>> -> memref<1280xf32, #tpu.memory_space<vmem_shared>>
      %dma_wait3A_77 = tpu.memref_slice %arg7[%mul3A_55] : memref<20480xf32, #tpu.memory_space<vmem_shared>> -> memref<1280xf32, #tpu.memory_space<vmem_shared>>
      tpu.wait_dma2 semaphore(%run_scoped3A : memref<!tpu.dma_semaphore, #tpu.memory_space<semaphore_mem>>) src(%arg6 : memref<1280xf32, #tpu.memory_space<vmem>>) dst(%dma_wait3A_77 : memref<1280xf32, #tpu.memory_space<vmem_shared>>)
      tpu.yield
    }) : () -> ()
    "tpu.region"() ({
      %run_scoped3A = tpu.sem_alloc : memref<!tpu.dma_semaphore, #tpu.memory_space<semaphore_mem>>
      %dma_start3A = arith.constant 0 : i32
      %dma_start3A_76 = arith.constant 0 : i32
      %dma_start3A_77 = tpu.memref_slice %arg2[%add3A, %dma_start3A, %dma_start3A_76] : memref<32x160x128xi32, #tpu.memory_space<hbm>> -> memref<1x160x128xi32, #tpu.memory_space<hbm>>
      %dma_start3A_78 = tpu.memref_squeeze %dma_start3A_77 : memref<1x160x128xi32, #tpu.memory_space<hbm>> -> memref<160x128xi32, #tpu.memory_space<hbm>>
      %dma_start3A_79 = arith.constant 0 : i32
      %dma_start3A_80 = arith.constant 0 : i32
      %dma_start3A_81 = tpu.memref_slice %arg2[%add3A, %dma_start3A_79, %dma_start3A_80] : memref<32x160x128xi32, #tpu.memory_space<hbm>> -> memref<1x160x128xi32, #tpu.memory_space<hbm>>
      %dma_start3A_82 = tpu.memref_squeeze %dma_start3A_81 : memref<1x160x128xi32, #tpu.memory_space<hbm>> -> memref<160x128xi32, #tpu.memory_space<hbm>>
      tpu.enqueue_dma source(%dma_start3A_82 : memref<160x128xi32, #tpu.memory_space<hbm>>) target(%arg4 : memref<160x128xi32, #tpu.memory_space<vmem>>) target_semaphore(%run_scoped3A : memref<!tpu.dma_semaphore, #tpu.memory_space<semaphore_mem>>)
      %dma_wait3A = arith.constant 0 : i32
      %dma_wait3A_83 = arith.constant 0 : i32
      %dma_wait3A_84 = tpu.memref_slice %arg2[%add3A, %dma_wait3A, %dma_wait3A_83] : memref<32x160x128xi32, #tpu.memory_space<hbm>> -> memref<1x160x128xi32, #tpu.memory_space<hbm>>
      %dma_wait3A_85 = tpu.memref_squeeze %dma_wait3A_84 : memref<1x160x128xi32, #tpu.memory_space<hbm>> -> memref<160x128xi32, #tpu.memory_space<hbm>>
      %dma_wait3A_86 = arith.constant 0 : i32
      %dma_wait3A_87 = arith.constant 0 : i32
      %dma_wait3A_88 = tpu.memref_slice %arg2[%add3A, %dma_wait3A_86, %dma_wait3A_87] : memref<32x160x128xi32, #tpu.memory_space<hbm>> -> memref<1x160x128xi32, #tpu.memory_space<hbm>>
      %dma_wait3A_89 = tpu.memref_squeeze %dma_wait3A_88 : memref<1x160x128xi32, #tpu.memory_space<hbm>> -> memref<160x128xi32, #tpu.memory_space<hbm>>
      tpu.wait_dma2 semaphore(%run_scoped3A : memref<!tpu.dma_semaphore, #tpu.memory_space<semaphore_mem>>) src(%dma_wait3A_89 : memref<160x128xi32, #tpu.memory_space<hbm>>) dst(%arg4 : memref<160x128xi32, #tpu.memory_space<vmem>>)
      tpu.yield
    }) : () -> ()
    %barrier3A = arith.constant 0 : index
    tpu.barrier barrier_id(%barrier3A)
    %scan3A_56 = arith.constant 0 : i32
    %scan3A_57 = arith.constant 0 : i32
    %scan3A_58 = arith.constant 160 : i32
    %scan3A_59 = arith.addi %scan3A_57, %scan3A_58 : i32
    %scan3A_60 = arith.constant 1 : i32
    scf.for %scan3A_76 = %scan3A_57 to %scan3A_59 step %scan3A_60  : i32 {
      "tpu.region"() ({
        %run_scoped3A = tpu.sem_alloc : memref<!tpu.dma_semaphore, #tpu.memory_space<semaphore_mem>>
        %dma_start3A = arith.constant 0 : i32
        %dma_start3A_77 = tpu.memref_slice %arg4[%scan3A_76, %dma_start3A] : memref<160x128xi32, #tpu.memory_space<vmem>> -> memref<1x128xi32, #tpu.memory_space<vmem>>
        %dma_start3A_78 = tpu.memref_squeeze %dma_start3A_77 : memref<1x128xi32, #tpu.memory_space<vmem>> -> memref<128xi32, #tpu.memory_space<vmem>>
        %dma_start3A_79 = arith.constant 0 : i32
        %dma_start3A_80 = tpu.memref_slice %arg7[%dma_start3A_79] : memref<20480xf32, #tpu.memory_space<vmem_shared>> -> memref<20480xf32, #tpu.memory_space<vmem_shared>>
        tpu.enqueue_indirect_dma source(%arg5 : memref<128xf32, #tpu.memory_space<vmem>>) target(%dma_start3A_80 : memref<20480xf32, #tpu.memory_space<vmem_shared>>) offsets(%dma_start3A_78 : memref<128xi32, #tpu.memory_space<vmem>>) semaphore(%run_scoped3A : memref<!tpu.dma_semaphore, #tpu.memory_space<semaphore_mem>>) {add = true}
        %dma_wait3A = arith.constant 0 : i32
        %dma_wait3A_81 = tpu.memref_slice %arg4[%scan3A_76, %dma_wait3A] : memref<160x128xi32, #tpu.memory_space<vmem>> -> memref<1x128xi32, #tpu.memory_space<vmem>>
        %dma_wait3A_82 = tpu.memref_squeeze %dma_wait3A_81 : memref<1x128xi32, #tpu.memory_space<vmem>> -> memref<128xi32, #tpu.memory_space<vmem>>
        %dma_wait3A_83 = arith.constant 0 : i32
        %dma_wait3A_84 = tpu.memref_slice %arg7[%dma_wait3A_83] : memref<20480xf32, #tpu.memory_space<vmem_shared>> -> memref<20480xf32, #tpu.memory_space<vmem_shared>>
        tpu.wait_indirect_dma semaphore(%run_scoped3A : memref<!tpu.dma_semaphore, #tpu.memory_space<semaphore_mem>>) src(%arg5 : memref<128xf32, #tpu.memory_space<vmem>>) dst(%dma_wait3A_84 : memref<20480xf32, #tpu.memory_space<vmem_shared>>)
        tpu.yield
      }) : () -> ()
    }
    %scan3A_61 = arith.constant 160 : i32
    %barrier3A_62 = arith.constant 0 : index
    tpu.barrier barrier_id(%barrier3A_62)
    %mul3A_63 = arith.constant 2 : i32
    %mul3A_64 = arith.muli %arg1, %mul3A_63 : i32
    %mul3A_65 = arith.constant 640 : i32
    %mul3A_66 = arith.muli %mul3A_64, %mul3A_65 : i32
    %mul3A_67 = arith.constant 2 : i32
    %mul3A_68 = arith.muli %arg0, %mul3A_67 : i32
    %mul3A_69 = arith.constant 10240 : i32
    %mul3A_70 = arith.muli %mul3A_68, %mul3A_69 : i32
    %mul3A_71 = arith.constant 2 : i32
    %mul3A_72 = arith.muli %arg1, %mul3A_71 : i32
    %mul3A_73 = arith.constant 640 : i32
    %mul3A_74 = arith.muli %mul3A_72, %mul3A_73 : i32
    %add3A_75 = arith.addi %mul3A_70, %mul3A_74 : i32
    "tpu.region"() ({
      %run_scoped3A = tpu.sem_alloc : memref<!tpu.dma_semaphore, #tpu.memory_space<semaphore_mem>>
      %dma_start3A = tpu.memref_slice %arg3[%add3A_75] : memref<40960xf32, #tpu.memory_space<hbm>> -> memref<1280xf32, #tpu.memory_space<hbm>>
      %dma_start3A_76 = tpu.memref_slice %arg7[%mul3A_66] : memref<20480xf32, #tpu.memory_space<vmem_shared>> -> memref<1280xf32, #tpu.memory_space<vmem_shared>>
      tpu.enqueue_dma source(%dma_start3A_76 : memref<1280xf32, #tpu.memory_space<vmem_shared>>) target(%dma_start3A : memref<1280xf32, #tpu.memory_space<hbm>>) target_semaphore(%run_scoped3A : memref<!tpu.dma_semaphore, #tpu.memory_space<semaphore_mem>>)
      %dma_wait3A = tpu.memref_slice %arg3[%add3A_75] : memref<40960xf32, #tpu.memory_space<hbm>> -> memref<1280xf32, #tpu.memory_space<hbm>>
      %dma_wait3A_77 = tpu.memref_slice %arg7[%mul3A_66] : memref<20480xf32, #tpu.memory_space<vmem_shared>> -> memref<1280xf32, #tpu.memory_space<vmem_shared>>
      tpu.wait_dma2 semaphore(%run_scoped3A : memref<!tpu.dma_semaphore, #tpu.memory_space<semaphore_mem>>) src(%dma_wait3A_77 : memref<1280xf32, #tpu.memory_space<vmem_shared>>) dst(%dma_wait3A : memref<1280xf32, #tpu.memory_space<hbm>>)
      tpu.yield
    }) : () -> ()
    return
  }
}

module attributes {stable_mosaic.version = 14 : i64} {
  func.func @body(%arg0: memref<4x10240x1xf32, #tpu.memory_space<vmem>>, %arg1: memref<10000x128xf32, #tpu.memory_space<vmem>>, %arg2: memref<10000x1xf32, #tpu.memory_space<vmem>>, %arg3: memref<10000x1xf32, #tpu.memory_space<vmem>>, %arg4: memref<10000x128xf32, #tpu.memory_space<vmem>>) attributes {dimension_semantics = [], scalar_prefetch = 0 : i64, scratch_operands = 0 : i64, tpu.core_type = #tpu.core_type<tc>} {
    %get3A = arith.constant 0 : index
    %get3A_0 = arith.constant 0 : index
    %get3A_1 = arith.constant 0 : index
    %get3A_2 = vector.load %arg0[%get3A, %get3A_0, %get3A_1] : memref<4x10240x1xf32, #tpu.memory_space<vmem>>, vector<1x10240x1xf32>
    %get3A_3 = vector.shape_cast %get3A_2 : vector<1x10240x1xf32> to vector<10240x1xf32>
    %get3A_4 = arith.constant 2 : index
    %get3A_5 = arith.constant 0 : index
    %get3A_6 = arith.constant 0 : index
    %get3A_7 = vector.load %arg0[%get3A_4, %get3A_5, %get3A_6] : memref<4x10240x1xf32, #tpu.memory_space<vmem>>, vector<1x10240x1xf32>
    %get3A_8 = vector.shape_cast %get3A_7 : vector<1x10240x1xf32> to vector<10240x1xf32>
    %add3A = arith.addf %get3A_3, %get3A_8 : vector<10240x1xf32>
    %get3A_9 = arith.constant 1 : index
    %get3A_10 = arith.constant 0 : index
    %get3A_11 = arith.constant 0 : index
    %get3A_12 = vector.load %arg0[%get3A_9, %get3A_10, %get3A_11] : memref<4x10240x1xf32, #tpu.memory_space<vmem>>, vector<1x10240x1xf32>
    %get3A_13 = vector.shape_cast %get3A_12 : vector<1x10240x1xf32> to vector<10240x1xf32>
    %get3A_14 = arith.constant 3 : index
    %get3A_15 = arith.constant 0 : index
    %get3A_16 = arith.constant 0 : index
    %get3A_17 = vector.load %arg0[%get3A_14, %get3A_15, %get3A_16] : memref<4x10240x1xf32, #tpu.memory_space<vmem>>, vector<1x10240x1xf32>
    %get3A_18 = vector.shape_cast %get3A_17 : vector<1x10240x1xf32> to vector<10240x1xf32>
    %add3A_19 = arith.addf %get3A_13, %get3A_18 : vector<10240x1xf32>
    %max3A = arith.constant 1.000000e+00 : f32
    %max3A_20 = vector.broadcast %max3A : f32 to vector<10240x1xf32>
    %max3A_21 = arith.maximumf %add3A, %max3A_20 : vector<10240x1xf32>
    %rsqrt3A = math.rsqrt %max3A_21 : vector<10240x1xf32>
    %slice3A = vector.extract_strided_slice %rsqrt3A {offsets = [0, 0], sizes = [10000, 1], strides = [1, 1]} : vector<10240x1xf32> to vector<10000x1xf32>
    %max3A_22 = arith.constant 1.000000e+00 : f32
    %max3A_23 = vector.broadcast %max3A_22 : f32 to vector<10240x1xf32>
    %max3A_24 = arith.maximumf %add3A_19, %max3A_23 : vector<10240x1xf32>
    %rsqrt3A_25 = math.rsqrt %max3A_24 : vector<10240x1xf32>
    %slice3A_26 = vector.extract_strided_slice %rsqrt3A_25 {offsets = [0, 0], sizes = [10000, 1], strides = [1, 1]} : vector<10240x1xf32> to vector<10000x1xf32>
    %swap3A = arith.constant 0 : index
    %swap3A_27 = arith.constant 0 : index
    %swap3A_28 = vector.load %arg2[%swap3A, %swap3A_27] : memref<10000x1xf32, #tpu.memory_space<vmem>>, vector<10000x1xf32>
    tpu.vector_store %arg2[%swap3A, %swap3A_27], %slice3A {strides = array<i32>} : memref<10000x1xf32, #tpu.memory_space<vmem>>, vector<10000x1xf32>,
    %swap3A_29 = arith.constant 0 : index
    %swap3A_30 = arith.constant 0 : index
    %swap3A_31 = vector.load %arg3[%swap3A_29, %swap3A_30] : memref<10000x1xf32, #tpu.memory_space<vmem>>, vector<10000x1xf32>
    tpu.vector_store %arg3[%swap3A_29, %swap3A_30], %slice3A_26 {strides = array<i32>} : memref<10000x1xf32, #tpu.memory_space<vmem>>, vector<10000x1xf32>,
    %get3A_32 = arith.constant 0 : index
    %get3A_33 = arith.constant 0 : index
    %get3A_34 = vector.load %arg1[%get3A_32, %get3A_33] : memref<10000x128xf32, #tpu.memory_space<vmem>>, vector<10000x128xf32>
    %mul3A = vector.broadcast %slice3A : vector<10000x1xf32> to vector<10000x128xf32>
    %mul3A_35 = arith.mulf %get3A_34, %mul3A : vector<10000x128xf32>
    %swap3A_36 = arith.constant 0 : index
    %swap3A_37 = arith.constant 0 : index
    %swap3A_38 = vector.load %arg4[%swap3A_36, %swap3A_37] : memref<10000x128xf32, #tpu.memory_space<vmem>>, vector<10000x128xf32>
    tpu.vector_store %arg4[%swap3A_36, %swap3A_37], %mul3A_35 {strides = array<i32>} : memref<10000x128xf32, #tpu.memory_space<vmem>>, vector<10000x128xf32>,
    return
  }
}

module attributes {stable_mosaic.version = 14 : i64} {
  func.func @body(%arg0: memref<20480x128xf32, #tpu.memory_space<vmem>>, %arg1: memref<10000x1xf32, #tpu.memory_space<vmem>>, %arg2: memref<10000x1xf32, #tpu.memory_space<vmem>>, %arg3: memref<128x128xf32, #tpu.memory_space<vmem>>, %arg4: memref<1x128xf32, #tpu.memory_space<vmem>>, %arg5: memref<10000x128xf32, #tpu.memory_space<vmem>>, %arg6: memref<10000x128xf32, #tpu.memory_space<vmem>>) attributes {dimension_semantics = [], scalar_prefetch = 0 : i64, scratch_operands = 0 : i64, tpu.core_type = #tpu.core_type<tc>} {
    %get3A = arith.constant 0 : index
    %get3A_0 = arith.constant 0 : index
    %get3A_1 = vector.load %arg0[%get3A, %get3A_0] : memref<20480x128xf32, #tpu.memory_space<vmem>>, vector<10000x128xf32>
    %get3A_2 = arith.constant 10240 : index
    %get3A_3 = arith.constant 0 : index
    %get3A_4 = vector.load %arg0[%get3A_2, %get3A_3] : memref<20480x128xf32, #tpu.memory_space<vmem>>, vector<10000x128xf32>
    %add3A = arith.addf %get3A_1, %get3A_4 : vector<10000x128xf32>
    %get3A_5 = arith.constant 0 : index
    %get3A_6 = arith.constant 0 : index
    %get3A_7 = vector.load %arg1[%get3A_5, %get3A_6] : memref<10000x1xf32, #tpu.memory_space<vmem>>, vector<10000x1xf32>
    %mul3A = vector.broadcast %get3A_7 : vector<10000x1xf32> to vector<10000x128xf32>
    %mul3A_8 = arith.mulf %add3A, %mul3A : vector<10000x128xf32>
    %get3A_9 = arith.constant 0 : index
    %get3A_10 = arith.constant 0 : index
    %get3A_11 = vector.load %arg3[%get3A_9, %get3A_10] : memref<128x128xf32, #tpu.memory_space<vmem>>, vector<128x128xf32>
    %dot_general3A = arith.constant dense<0.000000e+00> : vector<10000x128xf32>
    %dot_general3A_12 = tpu.matmul %mul3A_8, %get3A_11, %dot_general3A {dimension_numbers = #tpu.dot_dimension_numbers<[1], [0], [0], [1], [0, 0, 1, 1], [], []>, transpose_lhs_hint = false} : vector<10000x128xf32>, vector<128x128xf32>, vector<10000x128xf32> -> vector<10000x128xf32>
    %get3A_13 = arith.constant 0 : index
    %get3A_14 = arith.constant 0 : index
    %get3A_15 = vector.load %arg4[%get3A_13, %get3A_14] : memref<1x128xf32, #tpu.memory_space<vmem>>, vector<1x128xf32>
    %add3A_16 = vector.broadcast %get3A_15 : vector<1x128xf32> to vector<10000x128xf32>
    %add3A_17 = arith.addf %dot_general3A_12, %add3A_16 : vector<10000x128xf32>
    %max3A = arith.constant 0.000000e+00 : f32
    %max3A_18 = vector.broadcast %max3A : f32 to vector<10000x128xf32>
    %max3A_19 = arith.maximumf %add3A_17, %max3A_18 : vector<10000x128xf32>
    %swap3A = arith.constant 0 : index
    %swap3A_20 = arith.constant 0 : index
    %swap3A_21 = vector.load %arg5[%swap3A, %swap3A_20] : memref<10000x128xf32, #tpu.memory_space<vmem>>, vector<10000x128xf32>
    tpu.vector_store %arg5[%swap3A, %swap3A_20], %max3A_19 {strides = array<i32>} : memref<10000x128xf32, #tpu.memory_space<vmem>>, vector<10000x128xf32>,
    %get3A_22 = arith.constant 0 : index
    %get3A_23 = arith.constant 0 : index
    %get3A_24 = vector.load %arg2[%get3A_22, %get3A_23] : memref<10000x1xf32, #tpu.memory_space<vmem>>, vector<10000x1xf32>
    %mul3A_25 = vector.broadcast %get3A_24 : vector<10000x1xf32> to vector<10000x128xf32>
    %mul3A_26 = arith.mulf %max3A_19, %mul3A_25 : vector<10000x128xf32>
    %swap3A_27 = arith.constant 0 : index
    %swap3A_28 = arith.constant 0 : index
    %swap3A_29 = vector.load %arg6[%swap3A_27, %swap3A_28] : memref<10000x128xf32, #tpu.memory_space<vmem>>, vector<10000x128xf32>
    tpu.vector_store %arg6[%swap3A_27, %swap3A_28], %mul3A_26 {strides = array<i32>} : memref<10000x128xf32, #tpu.memory_space<vmem>>, vector<10000x128xf32>,
    return
  }
}

module attributes {stable_mosaic.version = 14 : i64} {
  func.func @body(%arg0: memref<20480x128xf32, #tpu.memory_space<vmem>>, %arg1: memref<10000x1xf32, #tpu.memory_space<vmem>>, %arg2: memref<128x128xf32, #tpu.memory_space<vmem>>, %arg3: memref<1x128xf32, #tpu.memory_space<vmem>>, %arg4: memref<10000x128xf32, #tpu.memory_space<vmem>>) attributes {dimension_semantics = [], scalar_prefetch = 0 : i64, scratch_operands = 0 : i64, tpu.core_type = #tpu.core_type<tc>} {
    %get3A = arith.constant 0 : index
    %get3A_0 = arith.constant 0 : index
    %get3A_1 = vector.load %arg0[%get3A, %get3A_0] : memref<20480x128xf32, #tpu.memory_space<vmem>>, vector<10000x128xf32>
    %get3A_2 = arith.constant 10240 : index
    %get3A_3 = arith.constant 0 : index
    %get3A_4 = vector.load %arg0[%get3A_2, %get3A_3] : memref<20480x128xf32, #tpu.memory_space<vmem>>, vector<10000x128xf32>
    %add3A = arith.addf %get3A_1, %get3A_4 : vector<10000x128xf32>
    %get3A_5 = arith.constant 0 : index
    %get3A_6 = arith.constant 0 : index
    %get3A_7 = vector.load %arg1[%get3A_5, %get3A_6] : memref<10000x1xf32, #tpu.memory_space<vmem>>, vector<10000x1xf32>
    %mul3A = vector.broadcast %get3A_7 : vector<10000x1xf32> to vector<10000x128xf32>
    %mul3A_8 = arith.mulf %add3A, %mul3A : vector<10000x128xf32>
    %get3A_9 = arith.constant 0 : index
    %get3A_10 = arith.constant 0 : index
    %get3A_11 = vector.load %arg2[%get3A_9, %get3A_10] : memref<128x128xf32, #tpu.memory_space<vmem>>, vector<128x128xf32>
    %dot_general3A = arith.constant dense<0.000000e+00> : vector<10000x128xf32>
    %dot_general3A_12 = tpu.matmul %mul3A_8, %get3A_11, %dot_general3A {dimension_numbers = #tpu.dot_dimension_numbers<[1], [0], [0], [1], [0, 0, 1, 1], [], []>, transpose_lhs_hint = false} : vector<10000x128xf32>, vector<128x128xf32>, vector<10000x128xf32> -> vector<10000x128xf32>
    %get3A_13 = arith.constant 0 : index
    %get3A_14 = arith.constant 0 : index
    %get3A_15 = vector.load %arg3[%get3A_13, %get3A_14] : memref<1x128xf32, #tpu.memory_space<vmem>>, vector<1x128xf32>
    %add3A_16 = vector.broadcast %get3A_15 : vector<1x128xf32> to vector<10000x128xf32>
    %add3A_17 = arith.addf %dot_general3A_12, %add3A_16 : vector<10000x128xf32>
    %swap3A = arith.constant 0 : index
    %swap3A_18 = arith.constant 0 : index
    %swap3A_19 = vector.load %arg4[%swap3A, %swap3A_18] : memref<10000x128xf32, #tpu.memory_space<vmem>>, vector<10000x128xf32>
    tpu.vector_store %arg4[%swap3A, %swap3A_18], %add3A_17 {strides = array<i32>} : memref<10000x128xf32, #tpu.memory_space<vmem>>, vector<10000x128xf32>,
    return
  }
}

</mosaic_0001>

<sc_bundles>
// kernel: kernel.11.cloned.1.call-start
scs
__scs_entry_jumppad:
0x0: {  	(pc) =	sbr.rel $0x88, $3  }
0x1: {  	(tag) =	ssettag $0x0;
	lr =	simm.s32 $0x1  }
0x2: {  	[smem:$0x3F9B] =	sst lr;
	_ =	strace $0xD0000000  }
0x3: {  	_ = 	snop  }
0x4: {  	_ = 	snop  }
0x5: {  	_ = 	snop  }
0x6: {  	_ = 	snop  }
0x7: {  	_ = 	snop  }
__scs_overlays_trampoline_lowered:
0x8: {  	[smem:$0x3FAA] =	sst s0  }
0x9: {  	[smem:$0x3FAB] =	sst s1  }
0xa: {  	[smem:$0x3FAC] =	sst s2  }
0xb: {  	[smem:$0x3FAD] =	sst s3  }
0xc: {  	[smem:$0x3FAE] =	sst s4  }
0xd: {  	[smem:$0x3FAF] =	sst s5  }
0xe: {  	[smem:$0x3FB0] =	sst s6  }
0xf: {  	[smem:$0x3FB1] =	sst s7  }
0x10: {  	[smem:$0x3FB2] =	sst s8  }
0x11: {  	[smem:$0x3FB3] =	sst s9;
	s0 =	simm.s32 @!p0 $0x0  }
0x12: {  	s1 =	sld [smem:$0x3F99];
	s0 =	simm.s32 @p0 $0x1  }
0x13: {  	[smem:$0x3FB4] =	sst s0;
	s0 =	simm.s32 @!p1 $0x0  }
0x14: {  	s2 =	sld [smem:$0x3F98];
	s0 =	simm.s32 @p1 $0x1  }
0x15: {  	[smem:$0x3FB5] =	sst s0;
	s0 =	simm.s32 @!p2 $0x0  }
0x16: {  	s3 =	sld [smem:$0x3FDB];
	s0 =	simm.s32 @p2 $0x1  }
0x17: {  	s4 =	simm.s32 $0x1BF5;
	[smem:$0x3FB7] =	sst s0  }
0x18: {  	s0 =	sld [smem:$0x3F9A];
	_ =	swait.ge [sflag:s4], $0x0  }
0x19: {  	s7 =	sld [smem:$0x3F9B]  }
0x1a: {  	s8 =	sadd.s32 $0xFFFFE003, lr  }
0x1b: {  	s9 =	sadd.s32 $0xFFFFFEF7, lr;
	s5 =	simm.s32 $0xFFFFFFFF;
	p2 =	slt.u32 s8, $0xFFFFF086  }
0x1c: {  	p1 =	slt.u32 s9, $0xF7A;
	s5 =	simm.s32 @!p2 $0x0  }
0x1d: {  	s5 =	simm.s32 @p1 $0x1;
	p0 =	seq.s32 s7, s2  }
0x1e: {  	s7 =	smul.u32 @!p0 $0xF7A, s2;
	p2 =	seq.s32 @!p0 s5, $0x0  }
0x1f: {  	s9 =	smul.u32 $0xF7A, s1;
	s8 =	simm.s32 @!p0 $0x1BF5;
	p2 =	por !p2, p0  }
0x20: {  	[sflag:s8] =	ssyncset.s32 @!p0 $0xFFFFF086;
	s6 =	sadd.s32 @!p0 s3, s7;
	s7 =	simm.s32 @!p0 $0x108  }
0x21: {  	s3 =	sadd.s32 s3, s9;
	s6 =	sadd.s32 @!p0 $0x88, s6;
	s7 =	simm.s32 @p2 $0x1082  }
0x22: {  	[simem:s7], [sflag:s8] =	dma.local @!p0 [hbm:s6], $0xF7A  }
0x23: {  	s9 =	sor.u32 $0xD0000000, s2;
	s6 =	simm.s32 $0x108;
	_ =	swait.ge @!p0 [sflag:s8], $0x0  }
0x24: {  	s3 =	sadd.s32 $0x88, s3;
	s6 =	simm.s32 @!p1 $0x1082;
	[sflag:s4] =	ssyncset.s32 $0xFFFFF086  }
0x25: {  	[simem:s6], [sflag:s4] =	dma.local [hbm:s3], $0xF7A  }
0x26: {  	[smem:$0x3F9B] =	sst s1;
	(tag) =	ssettag s2;
	_ =	strace s9  }
0x27: {  	s1 =	sld [smem:$0x3FAB]  }
0x28: {  	s2 =	sld [smem:$0x3FAC]  }
0x29: {  	s4 =	sld [smem:$0x3FAE]  }
0x2a: {  	p0 =	seq.s32 s5, $0x0;
	s5 =	sld [smem:$0x3FAF]  }
0x2b: {  	s6 =	sld [smem:$0x3FB0]  }
0x2c: {  	s7 =	sld [smem:$0x3FB1]  }
0x2d: {  	s3 =	simm.s32 $0x108;
	s8 =	sld [smem:$0x3FB2]  }
0x2e: {  	s3 =	simm.s32 @!p0 $0x1082;
	s9 =	sld [smem:$0x3FB3]  }
0x2f: {  	lr =	sadd.s32 s0, s3;
	s0 =	sld [smem:$0x3FAA]  }
0x30: {  	s3 =	sld [smem:$0x3FAD]  }
0x31: {  	[smem:$0x3FB6] =	sst s10  }
0x32: {  	s10 =	sld [smem:$0x3FB4];
	_ =	sdelay $0x3  }
0x33: {  	p0 =	seq.s32 s10, $0x1;
	s10 =	sld [smem:$0x3FB6];
	_ =	sdelay $0x3  }
0x34: {  	[smem:$0x3FB6] =	sst s10  }
0x35: {  	s10 =	sld [smem:$0x3FB5];
	_ =	sdelay $0x3  }
0x36: {  	p1 =	seq.s32 s10, $0x1;
	s10 =	sld [smem:$0x3FB6];
	_ =	sdelay $0x3  }
0x37: {  	[smem:$0x3FB6] =	sst s10  }
0x38: {  	s10 =	sld [smem:$0x3FB7]  }
0x39: {  	_ = 	snop;
	(pc) =	sbr.ind lr, $3  }
0x3a: {  	_ = 	snop  }
0x3b: {  	_ = 	snop  }
0x3c: {  	p2 =	seq.s32 s10, $0x1;
	s10 =	sld [smem:$0x3FB6]  }
0x3d: {  	_ =	shalt  }
0x3e: {  	_ =	shalt  }
0x3f: {  	_ =	shalt  }
0x40: {  	_ =	shalt  }
0x41: {  	_ =	shalt  }
0x42: {  	_ =	shalt  }
0x43: {  	_ =	shalt  }
0x44: {  	_ =	shalt  }
0x45: {  	_ =	shalt  }
0x46: {  	_ =	shalt  }
0x47: {  	_ =	shalt  }
0x48: {  	_ =	shalt  }
0x49: {  	_ =	shalt  }
0x4a: {  	_ =	shalt  }
0x4b: {  	_ =	shalt  }
0x4c: {  	_ =	shalt  }
0x4d: {  	_ =	shalt  }
0x4e: {  	_ =	shalt  }
0x4f: {  	_ =	shalt  }
0x50: {  	_ =	shalt  }
0x51: {  	_ =	shalt  }
0x52: {  	_ =	shalt  }
0x53: {  	_ =	shalt  }
0x54: {  	_ =	shalt  }
0x55: {  	_ =	shalt  }
0x56: {  	_ =	shalt  }
0x57: {  	_ =	shalt  }
0x58: {  	_ =	shalt  }
0x59: {  	_ =	shalt  }
0x5a: {  	_ =	shalt  }
0x5b: {  	_ =	shalt  }
0x5c: {  	_ =	shalt  }
0x5d: {  	_ =	shalt  }
0x5e: {  	_ =	shalt  }
0x5f: {  	_ =	shalt  }
0x60: {  	_ =	shalt  }
0x61: {  	_ =	shalt  }
0x62: {  	_ =	shalt  }
0x63: {  	_ =	shalt  }
0x64: {  	_ =	shalt  }
0x65: {  	_ =	shalt  }
0x66: {  	_ =	shalt  }
0x67: {  	_ =	shalt  }
0x68: {  	_ =	shalt  }
0x69: {  	_ =	shalt  }
0x6a: {  	_ =	shalt  }
0x6b: {  	_ =	shalt  }
0x6c: {  	_ =	shalt  }
0x6d: {  	_ =	shalt  }
0x6e: {  	_ =	shalt  }
0x6f: {  	_ =	shalt  }
0x70: {  	_ =	shalt  }
0x71: {  	_ =	shalt  }
0x72: {  	_ =	shalt  }
0x73: {  	_ =	shalt  }
0x74: {  	_ =	shalt  }
0x75: {  	_ =	shalt  }
0x76: {  	_ =	shalt  }
0x77: {  	_ =	shalt  }
0x78: {  	_ =	shalt  }
0x79: {  	_ =	shalt  }
0x7a: {  	_ =	shalt  }
0x7b: {  	_ =	shalt  }
0x7c: {  	_ =	shalt  }
0x7d: {  	_ =	shalt  }
0x7e: {  	_ =	shalt  }
0x7f: {  	_ =	shalt  }
0x80: {  	_ =	shalt  }
0x81: {  	_ =	shalt  }
0x82: {  	_ =	shalt  }
0x83: {  	_ =	shalt  }
0x84: {  	_ =	shalt  }
0x85: {  	_ =	shalt  }
0x86: {  	_ =	shalt  }
0x87: {  	_ =	shalt  }
.Lfunc_end0:
.L_simem_size_0:
called_computation.1_lowered:
.L_overlay_start_0:
0x88: {  	s2 =	sld [smem:$0x3FD9]  }
0x89: {  	s3 =	sld [smem:$0x3FFE];
	_ =	sdelay $0x1  }
0x8a: {  	s1 =	srdreg.scid  }
0x8b: {  	s0 =	sand.u32 $0x1, s1  }
0x8c: {  	s14 =	sshll.u32 s0, $0xA;
	s2 =	sadd.s32 s3, s2  }
0x8d: {  	s2 =	sadd.s32 s2, s14  }
0x8e: {  	[smem:$0x3FC2] =	sst s2  }
0x8f: {  	_ = 	snop  }
0x90: {  	s2 =	sld [smem:$0x3FD0];
	_ =	sdelay $0x2  }
0x91: {  	s15 =	simm.s32 $0xA;
	s4 =	simm.s32 $0x10  }
0x92: {  	[smem:s4], [sflag:s15] =	dma.local [hbm:s2], $0x1  }
0x93: {  	_ =	swait.eq [sflag:s15], $0x1  }
0x94: {  	[sflag:s15] =	ssyncset.done $0x0  }
0x95: {  	[sflag:s15] =	ssyncadd.s32 $0xFFFFFFFF  }
0x96: {  	s16 =	sld [smem:$0x11];
	(tm) =	ssettm $0x1  }
0x97: {  	s17 =	sld [smem:$0x3FFB];
	_ =	sdelay $0x3  }
0x98: {  	_ =	strace s17  }
0x99: {  	s3 =	sld [smem:$0x3FFC];
	_ =	sdelay $0x3  }
0x9a: {  	_ =	strace s3  }
0x9b: {  	s3 =	sld [smem:$0x3FFD];
	_ =	sdelay $0x3  }
0x9c: {  	_ =	strace s3  }
0x9d: {  	_ =	strace $0x8FFFFFFF  }
0x9e: {  	s18 =	sld [smem:$0x3FDB];
	_ =	sdelay $0x1  }
0x9f: {  	s19 =	simm.s32 $_scs_section_size  }
0xa0: {  	s5 =	simm.s32 $_size__tile_overlayer_lowered;
	s6 =	simm.s32 $_tile_overlayer_lowered  }
0xa1: {  	s22 =	simm.s32 $0x1BFF;
	s21 =	sshll.u32 s6, $0x1;
	s3 =	sadd.s32 s19, s18  }
0xa2: {  	s7 =	simm.s32 $0x0;
	s20 =	sshll.u32 s5, $0x1;
	s5 =	sadd.s32 s21, s3  }
0xa3: {  	[timem:s7], [sflag:s22] =	dma.local [hbm:s5], s20  }
0xa4: {  	_ =	swait.ge [sflag:s22], s20  }
0xa5: {  	s4 =	ssub.s32 $0x0, s20;
	[sflag:s22] =	ssyncset.done $0x0  }
0xa6: {  	[sflag:s22] =	ssyncadd.s32 s4;
	_ =	sdelay $0x1  }
0xa7: {  	s23 =	simm.s32 $0x1B8B  }
0xa8: {  	_ =	swait.ge [sflag:s23], $0x1  }
0xa9: {  	[sflag:s23] =	ssyncset.done $0x0  }
0xaa: {  	s25 =	simm.s32 $0x1B8E;
	s24 =	sld [smem:$0x3FFE];
	[sflag:s23] =	ssyncadd.s32 $0xFFFFFFFF  }
0xab: {  	s26 =	simm.s32 $execute0_lowered;
	[smem:$0x3FD2] =	sst s25  }
0xac: {  	s5 =	sshll.u32 s26, $0x1;
	_ =	strace $0x80000049;
	[dreg:$0x1] =	wrdreg $0xFFFFFFFF  }
0xad: {  	s28 =	simm.s32 $_size_execute0_lowered;
	s3 =	sadd.s32 s3, s5;
	[dreg:$0x0] =	wrdreg $0x0  }
0xae: {  	s5 =	sshll.u32 s28, $0x1;
	[dreg:$0x2] =	wrdreg s3  }
0xaf: {  	[dreg:$0x3] =	wrdreg s5  }
0xb0: {  	[dreg:$0x4] =	wrdreg $0xC0  }
0xb1: {  	_ =	task [dreg:s7], $0x5FFFF  }
0xb2: {  	[dreg:$0x1] =	wrdreg $0xFFFFFFFF  }
0xb3: {  	[dreg:$0x0] =	wrdreg $0x60  }
0xb4: {  	[dreg:$0x2] =	wrdreg s16  }
0xb5: {  	[dreg:$0x3] =	wrdreg s24  }
0xb6: {  	[dreg:$0x4] =	wrdreg $0xBD400  }
0xb7: {  	[dreg:$0x5] =	wrdreg $0x9  }
0xb8: {  	_ =	task.clear_ibuf [dreg:s7], $0x6FFFF;
	_ =	strace $0x90000049  }
0xb9: {  	s29 =	simm.s32 $0x9;
	_ =	strace $0x8000004B  }
0xba: {  	_ =	swait.ge [sflag:s29], $0x1  }
0xbb: {  	[sflag:s29] =	ssyncadd.s32 $0xFFFFFFFF  }
0xbc: {  	_ =	strace $0x9000004B  }
0xbd: {  	_ =	sfence  }
0xbe: {  	s30 =	sld [smem:$0x0];
	_ =	sdelay $0x2  }
0xbf: {  	s31 =	sshll.u32 s1, $0xD;
	s1 =	sshrl.u32 s1, $0x2  }
0xc0: {  	s3 =	sand.u32 $0x4000, s31;
	s1 =	sadd.s32 s1, s30  }
0xc1: {  	s0 =	sor.u32 s3, s0;
	s1 =	sshll.u32 s1, $0x11  }
0xc2: {  	s0 =	sor.u32 s1, s0  }
0xc3: {  	s0 =	sadd.s32 $0x8F2B, s0  }
0xc4: {  	[sflag:s0] =	ssyncadd.remote.s32 $0x1  }
0xc5: {  	_ =	sfence.sel $0xFFFF  }
0xc6: {  	[dreg:$0x0] =	wrdreg $0xFFFFFFFF;
	(pc) =	sbr.abs _section_cstart, $3  }
0xc7: {  	[dreg:$0x1] =	wrdreg $0xFFFFFFFF  }
0xc8: {  	_ =	task.clear_ibuf [dreg:s7], $0x2FFFF;
	_ =	strace $0x9FFFFFFF  }
0xc9: {  	(tm) =	ssettm $0x7FFFFFFF  }
tec
execute0_lowered:
.L_overlay_start_1:
0x0: {  	(tag) =	ssettag $0x1  }
0x1: {  	s1 =	rddreg [dreg:$0x0]  }
0x2: {  	s5 =	rddreg [dreg:$0x1]  }
0x3: {  	s3 =	rddreg [dreg:$0x2];
	s4 =	srdreg.scid  }
0x4: {  	s0 =	rddreg [dreg:$0x3];
	s2 =	stileid.u32;
	s11 =	simm.s32 $0x28A0  }
0x5: {  	s12 =	simm.s32 $0x64;
	s13 =	simm.s32 $0x5140;
	s14 =	simm.s32 $0x68  }
0x6: {  	s15 =	simm.s32 $0x8340;
	s16 =	simm.s32 $0xB540;
	s17 =	simm.s32 $0x1  }
0x7: {  	s18 =	simm.s32 $0x2;
	s19 =	simm.s32 $0x5070;
	s20 =	simm.s32 $0x50D8  }
0x8: {  	s23 =	simm.s32 $0x0;
	s6 =	sand.u32 $0x1, s4;
	s8 =	smul.u32 $0x2800, s2  }
0x9: {  	s4 =	simm.s32 $0x0;
	s10 =	smul.u32 $0x50000, s2;
	s21 =	sshll.u32 s2, $0x6  }
0xa: {  	s7 =	sshll.u32 s6, $0x4;
	[smem:$0x7FF] =	sst s4;
	s9 =	smul.u32 $0x28000, s6  }
0xb: {  	s6 =	ssub.s32 $0x2, s6;
	s21 =	sor.u32 $0x1C03, s21;
	s7 =	sor.u32 s2, s7  }
0xc: {  	_ =	strace $0x8000004A;
	s30 =	sshrl.u32 s6, $0x1;
	s7 =	smul.u32 $0x514, s7  }
0xd: {  	s31 =	sshrl.u32 s10, $0x2;
	s10 =	simm.s32 $0x3;
	s8 =	sadd.s32 s8, s9  }
0xe: {  	s9 =	ssub.s32 s6, s30;
	s8 =	sadd.s32 s8, s5;
	s7 =	sadd.s32 s7, s5  }
0xf: {  	s5 =	sadd.s32 $0x1800, s7;
	s6 =	sadd.s32 $0xBC00, s7;
	s7 =	sadd.s32 s31, s3  }
0x10: {  	v0 =	vimm.f32 $0.0e+00;
	s9 =	smax.u32 s9, $0x1;
	s8 =	sadd.s32 $0x16000, s8;
	s22 =	sshrl.u32 s7, $0x3  }
.LBB2_1:
0x11: {  	[tilespmem:s4], [sflag:$0x3] =	stream.linear.gather [hbm4b:s5+s4], $0x28A0, $0x38;
	[tilespmem:$0x1FD40] =	vst v63  }
0x12: {  	_ =	swait.ge [sflag:s10], $0x28A0  }
0x13: {  	[sflag:s10] =	ssyncset.done $0x0  }
0x14: {  	[sflag:s10] =	ssyncadd.s32 $0xFFFFD760  }
0x15: {  	[tilespmem:s11], [sflag:$0x3] =	stream.linear.gather [hbm4b:s6+s4], $0x28A0, $0x38;
	[tilespmem:$0x1FD40] =	vst v63  }
0x16: {  	_ =	swait.ge [sflag:s10], $0x28A0  }
0x17: {  	[sflag:s10] =	ssyncset.done $0x0  }
0x18: {  	[sflag:s10] =	ssyncadd.s32 $0xFFFFD760  }
0x19: {  	[tilespmem:s13], [sflag:$0x1] =	stream.indirect.gather [hbm4b:s1+s12], $0x80, s4, s12, $0xb8;
	[tilespmem:$0x1FD40] =	vst v63  }
0x1a: {  	_ = 	snop  }
0x1b: {  	[tilespmem:s15], [sflag:$0x2] =	stream.indirect.gather [hbm4b:s1+s12], $0x80, s14, s12, $0xb8;
	[tilespmem:$0x1FD40] =	vst v63  }
0x1c: {  	[tilespmem:$0xB540] =	vst v0  }
0x1d: {  	[tilespmem:$0xB550] =	vst v0  }
0x1e: {  	[tilespmem:$0xB560] =	vst v0  }
0x1f: {  	[tilespmem:$0xB570] =	vst v0  }
0x20: {  	[tilespmem:$0xB580] =	vst v0  }
0x21: {  	[tilespmem:$0xB590] =	vst v0  }
0x22: {  	[tilespmem:$0xB5A0] =	vst v0  }
0x23: {  	[tilespmem:$0xB5B0] =	vst v0  }
0x24: {  	[tilespmem:$0xB5C0] =	vst v0  }
0x25: {  	[tilespmem:$0xB5D0] =	vst v0  }
0x26: {  	[tilespmem:$0xB5E0] =	vst v0  }
0x27: {  	[tilespmem:$0xB5F0] =	vst v0  }
0x28: {  	[tilespmem:$0xB600] =	vst v0  }
0x29: {  	[tilespmem:$0xB610] =	vst v0  }
0x2a: {  	[tilespmem:$0xB620] =	vst v0  }
0x2b: {  	[tilespmem:$0xB630] =	vst v0  }
0x2c: {  	[tilespmem:$0xB640] =	vst v0  }
0x2d: {  	[tilespmem:$0xB650] =	vst v0  }
0x2e: {  	[tilespmem:$0xB660] =	vst v0  }
0x2f: {  	[tilespmem:$0xB670] =	vst v0  }
0x30: {  	[tilespmem:$0xB680] =	vst v0  }
0x31: {  	[tilespmem:$0xB690] =	vst v0  }
0x32: {  	[tilespmem:$0xB6A0] =	vst v0  }
0x33: {  	[tilespmem:$0xB6B0] =	vst v0  }
0x34: {  	[tilespmem:$0xB6C0] =	vst v0  }
0x35: {  	[tilespmem:$0xB6D0] =	vst v0  }
0x36: {  	[tilespmem:$0xB6E0] =	vst v0  }
0x37: {  	[tilespmem:$0xB6F0] =	vst v0  }
0x38: {  	[tilespmem:$0xB700] =	vst v0  }
0x39: {  	[tilespmem:$0xB710] =	vst v0  }
0x3a: {  	[tilespmem:$0xB720] =	vst v0  }
0x3b: {  	[tilespmem:$0xB730] =	vst v0  }
0x3c: {  	[tilespmem:$0xB740] =	vst v0  }
0x3d: {  	[tilespmem:$0xB750] =	vst v0  }
0x3e: {  	[tilespmem:$0xB760] =	vst v0  }
0x3f: {  	[tilespmem:$0xB770] =	vst v0  }
0x40: {  	[tilespmem:$0xB780] =	vst v0  }
0x41: {  	[tilespmem:$0xB790] =	vst v0  }
0x42: {  	[tilespmem:$0xB7A0] =	vst v0  }
0x43: {  	[tilespmem:$0xB7B0] =	vst v0  }
0x44: {  	[tilespmem:$0xB7C0] =	vst v0  }
0x45: {  	[tilespmem:$0xB7D0] =	vst v0  }
0x46: {  	[tilespmem:$0xB7E0] =	vst v0  }
0x47: {  	[tilespmem:$0xB7F0] =	vst v0  }
0x48: {  	[tilespmem:$0xB800] =	vst v0  }
0x49: {  	[tilespmem:$0xB810] =	vst v0  }
0x4a: {  	[tilespmem:$0xB820] =	vst v0  }
0x4b: {  	[tilespmem:$0xB830] =	vst v0  }
0x4c: {  	[tilespmem:$0xB840] =	vst v0  }
0x4d: {  	[tilespmem:$0xB850] =	vst v0  }
0x4e: {  	[tilespmem:$0xB860] =	vst v0  }
0x4f: {  	[tilespmem:$0xB870] =	vst v0  }
0x50: {  	[tilespmem:$0xB880] =	vst v0  }
0x51: {  	[tilespmem:$0xB890] =	vst v0  }
0x52: {  	[tilespmem:$0xB8A0] =	vst v0  }
0x53: {  	[tilespmem:$0xB8B0] =	vst v0  }
0x54: {  	[tilespmem:$0xB8C0] =	vst v0  }
0x55: {  	[tilespmem:$0xB8D0] =	vst v0  }
0x56: {  	[tilespmem:$0xB8E0] =	vst v0  }
0x57: {  	[tilespmem:$0xB8F0] =	vst v0  }
0x58: {  	[tilespmem:$0xB900] =	vst v0  }
0x59: {  	[tilespmem:$0xB910] =	vst v0  }
0x5a: {  	[tilespmem:$0xB920] =	vst v0  }
0x5b: {  	[tilespmem:$0xB930] =	vst v0  }
0x5c: {  	[tilespmem:$0xB940] =	vst v0  }
0x5d: {  	[tilespmem:$0xB950] =	vst v0  }
0x5e: {  	[tilespmem:$0xB960] =	vst v0  }
0x5f: {  	[tilespmem:$0xB970] =	vst v0  }
0x60: {  	[tilespmem:$0xB980] =	vst v0  }
0x61: {  	[tilespmem:$0xB990] =	vst v0  }
0x62: {  	[tilespmem:$0xB9A0] =	vst v0  }
0x63: {  	[tilespmem:$0xB9B0] =	vst v0  }
0x64: {  	[tilespmem:$0xB9C0] =	vst v0  }
0x65: {  	[tilespmem:$0xB9D0] =	vst v0  }
0x66: {  	[tilespmem:$0xB9E0] =	vst v0  }
0x67: {  	[tilespmem:$0xB9F0] =	vst v0  }
0x68: {  	[tilespmem:$0xBA00] =	vst v0  }
0x69: {  	[tilespmem:$0xBA10] =	vst v0  }
0x6a: {  	[tilespmem:$0xBA20] =	vst v0  }
0x6b: {  	[tilespmem:$0xBA30] =	vst v0  }
0x6c: {  	[tilespmem:$0xBA40] =	vst v0  }
0x6d: {  	[tilespmem:$0xBA50] =	vst v0  }
0x6e: {  	[tilespmem:$0xBA60] =	vst v0  }
0x6f: {  	[tilespmem:$0xBA70] =	vst v0  }
0x70: {  	[tilespmem:$0xBA80] =	vst v0  }
0x71: {  	[tilespmem:$0xBA90] =	vst v0  }
0x72: {  	[tilespmem:$0xBAA0] =	vst v0  }
0x73: {  	[tilespmem:$0xBAB0] =	vst v0  }
0x74: {  	[tilespmem:$0xBAC0] =	vst v0  }
0x75: {  	[tilespmem:$0xBAD0] =	vst v0  }
0x76: {  	[tilespmem:$0xBAE0] =	vst v0  }
0x77: {  	[tilespmem:$0xBAF0] =	vst v0  }
0x78: {  	[tilespmem:$0xBB00] =	vst v0  }
0x79: {  	[tilespmem:$0xBB10] =	vst v0  }
0x7a: {  	[tilespmem:$0xBB20] =	vst v0  }
0x7b: {  	[tilespmem:$0xBB30] =	vst v0  }
0x7c: {  	[tilespmem:$0xBB40] =	vst v0  }
0x7d: {  	[tilespmem:$0xBB50] =	vst v0  }
0x7e: {  	[tilespmem:$0xBB60] =	vst v0  }
0x7f: {  	[tilespmem:$0xBB70] =	vst v0  }
0x80: {  	[tilespmem:$0xBB80] =	vst v0  }
0x81: {  	[tilespmem:$0xBB90] =	vst v0  }
0x82: {  	[tilespmem:$0xBBA0] =	vst v0  }
0x83: {  	[tilespmem:$0xBBB0] =	vst v0  }
0x84: {  	[tilespmem:$0xBBC0] =	vst v0  }
0x85: {  	[tilespmem:$0xBBD0] =	vst v0  }
0x86: {  	[tilespmem:$0xBBE0] =	vst v0  }
0x87: {  	[tilespmem:$0xBBF0] =	vst v0  }
0x88: {  	[tilespmem:$0xBC00] =	vst v0  }
0x89: {  	[tilespmem:$0xBC10] =	vst v0  }
0x8a: {  	[tilespmem:$0xBC20] =	vst v0  }
0x8b: {  	[tilespmem:$0xBC30] =	vst v0  }
0x8c: {  	[tilespmem:$0xBC40] =	vst v0  }
0x8d: {  	[tilespmem:$0xBC50] =	vst v0  }
0x8e: {  	[tilespmem:$0xBC60] =	vst v0  }
0x8f: {  	[tilespmem:$0xBC70] =	vst v0  }
0x90: {  	[tilespmem:$0xBC80] =	vst v0  }
0x91: {  	[tilespmem:$0xBC90] =	vst v0  }
0x92: {  	[tilespmem:$0xBCA0] =	vst v0  }
0x93: {  	[tilespmem:$0xBCB0] =	vst v0  }
0x94: {  	[tilespmem:$0xBCC0] =	vst v0  }
0x95: {  	[tilespmem:$0xBCD0] =	vst v0  }
0x96: {  	[tilespmem:$0xBCE0] =	vst v0  }
0x97: {  	[tilespmem:$0xBCF0] =	vst v0  }
0x98: {  	[tilespmem:$0xBD00] =	vst v0  }
0x99: {  	[tilespmem:$0xBD10] =	vst v0  }
0x9a: {  	[tilespmem:$0xBD20] =	vst v0  }
0x9b: {  	s24 =	sadd.s32 $0x0, s7;
	[tilespmem:$0xBD30] =	vst v0  }
0x9c: {  	[spmem:s24] =	stream.linear.scatter [tilespmem:s16], [sflag:$0x3], $0x800, $0x38;
	[tilespmem:$0x1FD40] =	vst v63  }
0x9d: {  	s24 =	simm.s32 $0x2000;
	_ =	swait.ge [sflag:s10], $0x800  }
.LBB2_2:
0x9e: {  	s25 =	sshra.s32 s24, $0x2;
	[sflag:s10] =	ssyncset.done $0x0;
	p0 =	sne.s32 s24, $0x4E000  }
.Ltmp0:
0x9f: {  	s25 =	sadd.s32 s25, s7;
	[sflag:s10] =	ssyncadd.s32 $0xFFFFF800;
	(pc) =	sbr.rel @p0 .LBB2_2-.Ltmp0, $3  }
0xa0: {  	[spmem:s25] =	stream.linear.scatter [tilespmem:s16], [sflag:$0x3], $0x800, $0x38;
	[tilespmem:$0x1FD40] =	vst v63  }
0xa1: {  	s24 =	sadd.s32 $0x2000, s24;
	_ =	sdelay $0x1  }
0xa2: {  	_ =	swait.ge [sflag:s10], $0x800  }
0xa3: {  	[sflag:s10] =	ssyncset.done $0x0  }
0xa4: {  	[sflag:s10] =	ssyncadd.s32 $0xFFFFF800  }
0xa5: {  	[bflag:$0x0] =	sbarrier.arrive $0xFFFF  }
0xa6: {  	_ =	swait.ge [sflag:s17], $0x3200  }
0xa7: {  	[sflag:s17] =	ssyncset.done $0x0  }
0xa8: {  	s24 =	simm.s32 $0x28A0;
	[sflag:s17] =	ssyncadd.s32 $0xFFFFCE00  }
0xa9: {  	[spmem:s3] =	stream.indirect.scatter.add.f32 [tilespmem:s13], [sflag:$0x3], $0x80, s24, s12, $0xb8;
	[tilespmem:$0x1FD40] =	vst v63  }
0xaa: {  	_ =	swait.ge [sflag:s10], $0x3200  }
0xab: {  	[sflag:s10] =	ssyncset.done $0x0  }
0xac: {  	s30 =	simm.s32 $0xD0;
	[sflag:s10] =	ssyncadd.s32 $0xFFFFCE00  }
0xad: {  	[tilespmem:s13], [sflag:$0x1] =	stream.indirect.gather [hbm4b:s1+s12], $0x80, s30, s12, $0xb8;
	[tilespmem:$0x1FD40] =	vst v63  }
0xae: {  	_ =	swait.ge [sflag:s18], $0x3200  }
0xaf: {  	[sflag:s18] =	ssyncset.done $0x0  }
0xb0: {  	s31 =	simm.s32 $0x2908;
	[sflag:s18] =	ssyncadd.s32 $0xFFFFCE00  }
0xb1: {  	[spmem:s3] =	stream.indirect.scatter.add.f32 [tilespmem:s15], [sflag:$0x3], $0x80, s31, s12, $0xb8;
	[tilespmem:$0x1FD40] =	vst v63  }
0xb2: {  	_ =	swait.ge [sflag:s10], $0x3200  }
0xb3: {  	[sflag:s10] =	ssyncset.done $0x0  }
0xb4: {  	s25 =	simm.s32 $0x138;
	s24 =	simm.s32 $0x340;
	[sflag:s10] =	ssyncadd.s32 $0xFFFFCE00  }
.LBB2_4:
0xb5: {  	[tilespmem:s15], [sflag:$0x2] =	stream.indirect.gather [hbm4b:s1+s12], $0x80, s25, s12, $0xb8;
	[tilespmem:$0x1FD40] =	vst v63  }
0xb6: {  	s25 =	smov.u32 s24  }
0xb7: {  	p0 =	sne.s32 s24, $0x9C00;
	s24 =	sadd.s32 $0x340, s24;
	_ =	swait.ge [sflag:s17], $0x3200  }
0xb8: {  	s25 =	sshra.s32 s25, $0x2;
	[sflag:s17] =	ssyncset.done $0x0  }
0xb9: {  	s26 =	sadd.s32 $0x28A0, s25;
	[sflag:s17] =	ssyncadd.s32 $0xFFFFCE00  }
0xba: {  	[spmem:s3] =	stream.indirect.scatter.add.f32 [tilespmem:s13], [sflag:$0x3], $0x80, s26, s12, $0xb8;
	[tilespmem:$0x1FD40] =	vst v63  }
0xbb: {  	_ =	swait.ge [sflag:s10], $0x3200  }
0xbc: {  	[sflag:s10] =	ssyncset.done $0x0  }
0xbd: {  	s26 =	sadd.s32 $0xD0, s25;
	[sflag:s10] =	ssyncadd.s32 $0xFFFFCE00  }
0xbe: {  	[tilespmem:s13], [sflag:$0x1] =	stream.indirect.gather [hbm4b:s1+s12], $0x80, s26, s12, $0xb8;
	[tilespmem:$0x1FD40] =	vst v63  }
0xbf: {  	_ =	swait.ge [sflag:s18], $0x3200  }
0xc0: {  	[sflag:s18] =	ssyncset.done $0x0  }
.Ltmp1:
0xc1: {  	s26 =	sadd.s32 $0x2908, s25;
	[sflag:s18] =	ssyncadd.s32 $0xFFFFCE00;
	(pc) =	sbr.rel @p0 .LBB2_4-.Ltmp1, $4  }
0xc2: {  	[spmem:s3] =	stream.indirect.scatter.add.f32 [tilespmem:s15], [sflag:$0x3], $0x80, s26, s12, $0xb8;
	[tilespmem:$0x1FD40] =	vst v63  }
0xc3: {  	_ =	swait.ge [sflag:s10], $0x3200  }
0xc4: {  	[sflag:s10] =	ssyncset.done $0x0  }
0xc5: {  	s25 =	sadd.s32 $0x138, s25;
	[sflag:s10] =	ssyncadd.s32 $0xFFFFCE00  }
0xc6: {  	[tilespmem:s15], [sflag:$0x2] =	stream.indirect.gather [hbm4b:s1+s12], $0x80, s25, s12, $0xb8;
	[tilespmem:$0x1FD40] =	vst v63  }
0xc7: {  	_ =	swait.ge [sflag:s17], $0x3200  }
0xc8: {  	[sflag:s17] =	ssyncset.done $0x0  }
0xc9: {  	[sflag:s17] =	ssyncadd.s32 $0xFFFFCE00  }
0xca: {  	[spmem:s3] =	stream.indirect.scatter.add.f32 [tilespmem:s13], [sflag:$0x3], $0x80, s19, s12, $0xb8;
	[tilespmem:$0x1FD40] =	vst v63  }
0xcb: {  	_ =	swait.ge [sflag:s10], $0x3200  }
0xcc: {  	[sflag:s10] =	ssyncset.done $0x0  }
0xcd: {  	[sflag:s10] =	ssyncadd.s32 $0xFFFFCE00  }
0xce: {  	_ =	swait.ge [sflag:s18], $0x3200  }
0xcf: {  	[sflag:s18] =	ssyncset.done $0x0  }
0xd0: {  	[sflag:s18] =	ssyncadd.s32 $0xFFFFCE00  }
0xd1: {  	[spmem:s3] =	stream.indirect.scatter.add.f32 [tilespmem:s15], [sflag:$0x3], $0x80, s20, s12, $0xb8;
	[tilespmem:$0x1FD40] =	vst v63  }
0xd2: {  	_ =	swait.ge [sflag:s10], $0x3200  }
0xd3: {  	s23 =	sadd.s32 $0x1, s23;
	[sflag:s10] =	ssyncset.done $0x0  }
0xd4: {  	p0 =	sne.s32 s23, s9;
	[sflag:s10] =	ssyncadd.s32 $0xFFFFCE00  }
.Ltmp2:
0xd5: {  	[bflag:$0x0] =	sbarrier.arrive $0xFFFF;
	(pc) =	sbr.rel @p0 .LBB2_1-.Ltmp2, $4  }
0xd6: {  	[hbm:s8], [sflag:s21] =	dma.local [spmem:s22], $0x2800  }
0xd7: {  	_ =	swait.ge [sflag:s10], $0x2800  }
0xd8: {  	[sflag:s10] =	ssyncset.done $0x0  }
0xd9: {  	[sflag:s10] =	ssyncadd.s32 $0xFFFFD800  }
0xda: {  	_ =	sfence.sel $0x180000  }
0xdb: {  	[bflag:$0x0] =	sbarrier.arrive $0xFFFF  }
0xdc: {  	p0 =	sne.s32 s2, $0x0;
	_ =	strace $0x9000004A  }
0xdd: {  	s0 =	sadd.s32 @!p0 $0x100000, s0;
	[bflag:$0x2] =	sbarrier.arrive $0xFFFF  }
0xde: {  	[sflag:s0] =	ssyncadd.tile.s32 @!p0 $0x1;
	_ =	shalt  }
.Lfunc_end2:
_tile_overlayer_lowered:
.L_overlay_start_2:
0xdf: {  	(tag) =	ssettag $0x2  }
0xe0: {  	s0 =	rddreg [dreg:$0x0];
	s2 =	stileid.u32  }
0xe1: {  	s1 =	rddreg [dreg:$0x1];
	p0 =	sne.s32 s2, $0x0  }
0xe2: {  	s3 =	rddreg [dreg:$0x2];
	[bflag:$0x3] =	sbarrier.arrive $0xFFFF;
	s2 =	simm.s32 @!p0 $0x1C03  }
0xe3: {  	[timem:s3], [sflag:s2] =	dma.local @!p0 [hbm:s0], s1  }
0xe4: {  	s0 =	simm.s32 @!p0 $0x3  }
0xe5: {  	_ =	swait.ge @!p0 [sflag:s0], s1  }
0xe6: {  	s1 =	ssub.s32 @!p0 $0x0, s1;
	[sflag:s0] =	ssyncset.done @!p0 $0x0  }
0xe7: {  	[sflag:s0] =	ssyncadd.s32 @!p0 s1  }
0xe8: {  	[bflag:$0x3] =	sbarrier.arrive $0xFFFF  }
0xe9: {  	_ =	shalt  }

// kernel: kernel.14.cloned.1.call-start
scs
__scs_entry_jumppad:
0x0: {  	(pc) =	sbr.rel $0x88, $3  }
0x1: {  	(tag) =	ssettag $0x0;
	lr =	simm.s32 $0x1  }
0x2: {  	[smem:$0x3F9B] =	sst lr;
	_ =	strace $0xD0000000  }
0x3: {  	_ = 	snop  }
0x4: {  	_ = 	snop  }
0x5: {  	_ = 	snop  }
0x6: {  	_ = 	snop  }
0x7: {  	_ = 	snop  }
__scs_overlays_trampoline_lowered:
0x8: {  	[smem:$0x3FAA] =	sst s0  }
0x9: {  	[smem:$0x3FAB] =	sst s1  }
0xa: {  	[smem:$0x3FAC] =	sst s2  }
0xb: {  	[smem:$0x3FAD] =	sst s3  }
0xc: {  	[smem:$0x3FAE] =	sst s4  }
0xd: {  	[smem:$0x3FAF] =	sst s5  }
0xe: {  	[smem:$0x3FB0] =	sst s6  }
0xf: {  	[smem:$0x3FB1] =	sst s7  }
0x10: {  	[smem:$0x3FB2] =	sst s8  }
0x11: {  	[smem:$0x3FB3] =	sst s9;
	s0 =	simm.s32 @!p0 $0x0  }
0x12: {  	s1 =	sld [smem:$0x3F99];
	s0 =	simm.s32 @p0 $0x1  }
0x13: {  	[smem:$0x3FB4] =	sst s0;
	s0 =	simm.s32 @!p1 $0x0  }
0x14: {  	s2 =	sld [smem:$0x3F98];
	s0 =	simm.s32 @p1 $0x1  }
0x15: {  	[smem:$0x3FB5] =	sst s0;
	s0 =	simm.s32 @!p2 $0x0  }
0x16: {  	s3 =	sld [smem:$0x3FDB];
	s0 =	simm.s32 @p2 $0x1  }
0x17: {  	s4 =	simm.s32 $0x1BF5;
	[smem:$0x3FB7] =	sst s0  }
0x18: {  	s0 =	sld [smem:$0x3F9A];
	_ =	swait.ge [sflag:s4], $0x0  }
0x19: {  	s7 =	sld [smem:$0x3F9B]  }
0x1a: {  	s8 =	sadd.s32 $0xFFFFE003, lr  }
0x1b: {  	s9 =	sadd.s32 $0xFFFFFEF7, lr;
	s5 =	simm.s32 $0xFFFFFFFF;
	p2 =	slt.u32 s8, $0xFFFFF086  }
0x1c: {  	p1 =	slt.u32 s9, $0xF7A;
	s5 =	simm.s32 @!p2 $0x0  }
0x1d: {  	s5 =	simm.s32 @p1 $0x1;
	p0 =	seq.s32 s7, s2  }
0x1e: {  	s7 =	smul.u32 @!p0 $0xF7A, s2;
	p2 =	seq.s32 @!p0 s5, $0x0  }
0x1f: {  	s9 =	smul.u32 $0xF7A, s1;
	s8 =	simm.s32 @!p0 $0x1BF5;
	p2 =	por !p2, p0  }
0x20: {  	[sflag:s8] =	ssyncset.s32 @!p0 $0xFFFFF086;
	s6 =	sadd.s32 @!p0 s3, s7;
	s7 =	simm.s32 @!p0 $0x108  }
0x21: {  	s3 =	sadd.s32 s3, s9;
	s6 =	sadd.s32 @!p0 $0x88, s6;
	s7 =	simm.s32 @p2 $0x1082  }
0x22: {  	[simem:s7], [sflag:s8] =	dma.local @!p0 [hbm:s6], $0xF7A  }
0x23: {  	s9 =	sor.u32 $0xD0000000, s2;
	s6 =	simm.s32 $0x108;
	_ =	swait.ge @!p0 [sflag:s8], $0x0  }
0x24: {  	s3 =	sadd.s32 $0x88, s3;
	s6 =	simm.s32 @!p1 $0x1082;
	[sflag:s4] =	ssyncset.s32 $0xFFFFF086  }
0x25: {  	[simem:s6], [sflag:s4] =	dma.local [hbm:s3], $0xF7A  }
0x26: {  	[smem:$0x3F9B] =	sst s1;
	(tag) =	ssettag s2;
	_ =	strace s9  }
0x27: {  	s1 =	sld [smem:$0x3FAB]  }
0x28: {  	s2 =	sld [smem:$0x3FAC]  }
0x29: {  	s4 =	sld [smem:$0x3FAE]  }
0x2a: {  	p0 =	seq.s32 s5, $0x0;
	s5 =	sld [smem:$0x3FAF]  }
0x2b: {  	s6 =	sld [smem:$0x3FB0]  }
0x2c: {  	s7 =	sld [smem:$0x3FB1]  }
0x2d: {  	s3 =	simm.s32 $0x108;
	s8 =	sld [smem:$0x3FB2]  }
0x2e: {  	s3 =	simm.s32 @!p0 $0x1082;
	s9 =	sld [smem:$0x3FB3]  }
0x2f: {  	lr =	sadd.s32 s0, s3;
	s0 =	sld [smem:$0x3FAA]  }
0x30: {  	s3 =	sld [smem:$0x3FAD]  }
0x31: {  	[smem:$0x3FB6] =	sst s10  }
0x32: {  	s10 =	sld [smem:$0x3FB4];
	_ =	sdelay $0x3  }
0x33: {  	p0 =	seq.s32 s10, $0x1;
	s10 =	sld [smem:$0x3FB6];
	_ =	sdelay $0x3  }
0x34: {  	[smem:$0x3FB6] =	sst s10  }
0x35: {  	s10 =	sld [smem:$0x3FB5];
	_ =	sdelay $0x3  }
0x36: {  	p1 =	seq.s32 s10, $0x1;
	s10 =	sld [smem:$0x3FB6];
	_ =	sdelay $0x3  }
0x37: {  	[smem:$0x3FB6] =	sst s10  }
0x38: {  	s10 =	sld [smem:$0x3FB7]  }
0x39: {  	_ = 	snop;
	(pc) =	sbr.ind lr, $3  }
0x3a: {  	_ = 	snop  }
0x3b: {  	_ = 	snop  }
0x3c: {  	p2 =	seq.s32 s10, $0x1;
	s10 =	sld [smem:$0x3FB6]  }
0x3d: {  	_ =	shalt  }
0x3e: {  	_ =	shalt  }
0x3f: {  	_ =	shalt  }
0x40: {  	_ =	shalt  }
0x41: {  	_ =	shalt  }
0x42: {  	_ =	shalt  }
0x43: {  	_ =	shalt  }
0x44: {  	_ =	shalt  }
0x45: {  	_ =	shalt  }
0x46: {  	_ =	shalt  }
0x47: {  	_ =	shalt  }
0x48: {  	_ =	shalt  }
0x49: {  	_ =	shalt  }
0x4a: {  	_ =	shalt  }
0x4b: {  	_ =	shalt  }
0x4c: {  	_ =	shalt  }
0x4d: {  	_ =	shalt  }
0x4e: {  	_ =	shalt  }
0x4f: {  	_ =	shalt  }
0x50: {  	_ =	shalt  }
0x51: {  	_ =	shalt  }
0x52: {  	_ =	shalt  }
0x53: {  	_ =	shalt  }
0x54: {  	_ =	shalt  }
0x55: {  	_ =	shalt  }
0x56: {  	_ =	shalt  }
0x57: {  	_ =	shalt  }
0x58: {  	_ =	shalt  }
0x59: {  	_ =	shalt  }
0x5a: {  	_ =	shalt  }
0x5b: {  	_ =	shalt  }
0x5c: {  	_ =	shalt  }
0x5d: {  	_ =	shalt  }
0x5e: {  	_ =	shalt  }
0x5f: {  	_ =	shalt  }
0x60: {  	_ =	shalt  }
0x61: {  	_ =	shalt  }
0x62: {  	_ =	shalt  }
0x63: {  	_ =	shalt  }
0x64: {  	_ =	shalt  }
0x65: {  	_ =	shalt  }
0x66: {  	_ =	shalt  }
0x67: {  	_ =	shalt  }
0x68: {  	_ =	shalt  }
0x69: {  	_ =	shalt  }
0x6a: {  	_ =	shalt  }
0x6b: {  	_ =	shalt  }
0x6c: {  	_ =	shalt  }
0x6d: {  	_ =	shalt  }
0x6e: {  	_ =	shalt  }
0x6f: {  	_ =	shalt  }
0x70: {  	_ =	shalt  }
0x71: {  	_ =	shalt  }
0x72: {  	_ =	shalt  }
0x73: {  	_ =	shalt  }
0x74: {  	_ =	shalt  }
0x75: {  	_ =	shalt  }
0x76: {  	_ =	shalt  }
0x77: {  	_ =	shalt  }
0x78: {  	_ =	shalt  }
0x79: {  	_ =	shalt  }
0x7a: {  	_ =	shalt  }
0x7b: {  	_ =	shalt  }
0x7c: {  	_ =	shalt  }
0x7d: {  	_ =	shalt  }
0x7e: {  	_ =	shalt  }
0x7f: {  	_ =	shalt  }
0x80: {  	_ =	shalt  }
0x81: {  	_ =	shalt  }
0x82: {  	_ =	shalt  }
0x83: {  	_ =	shalt  }
0x84: {  	_ =	shalt  }
0x85: {  	_ =	shalt  }
0x86: {  	_ =	shalt  }
0x87: {  	_ =	shalt  }
.Lfunc_end0:
.L_simem_size_0:
called_computation.2_lowered:
.L_overlay_start_0:
0x88: {  	s2 =	sld [smem:$0x3FD9]  }
0x89: {  	s3 =	sld [smem:$0x3FFE];
	_ =	sdelay $0x1  }
0x8a: {  	s1 =	srdreg.scid  }
0x8b: {  	s0 =	sand.u32 $0x1, s1  }
0x8c: {  	s14 =	sshll.u32 s0, $0xA;
	s2 =	sadd.s32 s3, s2  }
0x8d: {  	s2 =	sadd.s32 s2, s14  }
0x8e: {  	[smem:$0x3FC2] =	sst s2  }
0x8f: {  	_ = 	snop  }
0x90: {  	s2 =	sld [smem:$0x3FD0];
	_ =	sdelay $0x2  }
0x91: {  	s15 =	simm.s32 $0xA;
	s4 =	simm.s32 $0x10  }
0x92: {  	[smem:s4], [sflag:s15] =	dma.local [hbm:s2], $0x1  }
0x93: {  	_ =	swait.eq [sflag:s15], $0x1  }
0x94: {  	[sflag:s15] =	ssyncset.done $0x0  }
0x95: {  	[sflag:s15] =	ssyncadd.s32 $0xFFFFFFFF  }
0x96: {  	s16 =	sld [smem:$0x11];
	(tm) =	ssettm $0x1  }
0x97: {  	s17 =	sld [smem:$0x3FFB];
	_ =	sdelay $0x3  }
0x98: {  	_ =	strace s17  }
0x99: {  	s3 =	sld [smem:$0x3FFC];
	_ =	sdelay $0x3  }
0x9a: {  	_ =	strace s3  }
0x9b: {  	s3 =	sld [smem:$0x3FFD];
	_ =	sdelay $0x3  }
0x9c: {  	_ =	strace s3  }
0x9d: {  	_ =	strace $0x8FFFFFFF  }
0x9e: {  	s18 =	sld [smem:$0x3FDB];
	_ =	sdelay $0x1  }
0x9f: {  	s19 =	simm.s32 $_scs_section_size  }
0xa0: {  	s5 =	simm.s32 $_size__tile_overlayer_lowered;
	s6 =	simm.s32 $_tile_overlayer_lowered  }
0xa1: {  	s22 =	simm.s32 $0x1BFF;
	s21 =	sshll.u32 s6, $0x1;
	s3 =	sadd.s32 s19, s18  }
0xa2: {  	s7 =	simm.s32 $0x0;
	s20 =	sshll.u32 s5, $0x1;
	s5 =	sadd.s32 s21, s3  }
0xa3: {  	[timem:s7], [sflag:s22] =	dma.local [hbm:s5], s20  }
0xa4: {  	_ =	swait.ge [sflag:s22], s20  }
0xa5: {  	s4 =	ssub.s32 $0x0, s20;
	[sflag:s22] =	ssyncset.done $0x0  }
0xa6: {  	[sflag:s22] =	ssyncadd.s32 s4;
	_ =	sdelay $0x1  }
0xa7: {  	s23 =	simm.s32 $0x1B8B  }
0xa8: {  	_ =	swait.ge [sflag:s23], $0x1  }
0xa9: {  	[sflag:s23] =	ssyncset.done $0x0  }
0xaa: {  	s25 =	simm.s32 $0x1B8E;
	s24 =	sld [smem:$0x3FFE];
	[sflag:s23] =	ssyncadd.s32 $0xFFFFFFFF  }
0xab: {  	s26 =	simm.s32 $execute0_lowered;
	[smem:$0x3FD2] =	sst s25  }
0xac: {  	s5 =	sshll.u32 s26, $0x1;
	_ =	strace $0x8000004C;
	[dreg:$0x1] =	wrdreg $0xFFFFFFFF  }
0xad: {  	s28 =	simm.s32 $_size_execute0_lowered;
	s3 =	sadd.s32 s3, s5;
	[dreg:$0x0] =	wrdreg $0x0  }
0xae: {  	s5 =	sshll.u32 s28, $0x1;
	[dreg:$0x2] =	wrdreg s3  }
0xaf: {  	[dreg:$0x3] =	wrdreg s5  }
0xb0: {  	[dreg:$0x4] =	wrdreg $0xC0  }
0xb1: {  	_ =	task [dreg:s7], $0x5FFFF  }
0xb2: {  	[dreg:$0x1] =	wrdreg $0xFFFFFFFF  }
0xb3: {  	[dreg:$0x0] =	wrdreg $0x60  }
0xb4: {  	[dreg:$0x2] =	wrdreg s16  }
0xb5: {  	[dreg:$0x3] =	wrdreg s24  }
0xb6: {  	[dreg:$0x4] =	wrdreg $0xBD400  }
0xb7: {  	[dreg:$0x5] =	wrdreg $0x9  }
0xb8: {  	_ =	task.clear_ibuf [dreg:s7], $0x6FFFF;
	_ =	strace $0x9000004C  }
0xb9: {  	s29 =	simm.s32 $0x9;
	_ =	strace $0x8000004E  }
0xba: {  	_ =	swait.ge [sflag:s29], $0x1  }
0xbb: {  	[sflag:s29] =	ssyncadd.s32 $0xFFFFFFFF  }
0xbc: {  	_ =	strace $0x9000004E  }
0xbd: {  	_ =	sfence  }
0xbe: {  	s30 =	sld [smem:$0x0];
	_ =	sdelay $0x2  }
0xbf: {  	s31 =	sshll.u32 s1, $0xD;
	s1 =	sshrl.u32 s1, $0x2  }
0xc0: {  	s3 =	sand.u32 $0x4000, s31;
	s1 =	sadd.s32 s1, s30  }
0xc1: {  	s0 =	sor.u32 s3, s0;
	s1 =	sshll.u32 s1, $0x11  }
0xc2: {  	s0 =	sor.u32 s1, s0  }
0xc3: {  	s0 =	sadd.s32 $0x8F2B, s0  }
0xc4: {  	[sflag:s0] =	ssyncadd.remote.s32 $0x1  }
0xc5: {  	_ =	sfence.sel $0xFFFF  }
0xc6: {  	[dreg:$0x0] =	wrdreg $0xFFFFFFFF;
	(pc) =	sbr.abs _section_cstart, $3  }
0xc7: {  	[dreg:$0x1] =	wrdreg $0xFFFFFFFF  }
0xc8: {  	_ =	task.clear_ibuf [dreg:s7], $0x2FFFF;
	_ =	strace $0x9FFFFFFF  }
0xc9: {  	(tm) =	ssettm $0x7FFFFFFF  }
tec
execute0_lowered:
.L_overlay_start_1:
0x0: {  	(tag) =	ssettag $0x1  }
0x1: {  	s1 =	rddreg [dreg:$0x0]  }
0x2: {  	s5 =	rddreg [dreg:$0x1]  }
0x3: {  	s3 =	rddreg [dreg:$0x2];
	s4 =	srdreg.scid  }
0x4: {  	s0 =	rddreg [dreg:$0x3];
	s2 =	stileid.u32;
	s11 =	simm.s32 $0x28A0  }
0x5: {  	s12 =	simm.s32 $0x64;
	s13 =	simm.s32 $0x5140;
	s14 =	simm.s32 $0x68  }
0x6: {  	s15 =	simm.s32 $0x8340;
	s16 =	simm.s32 $0xB540;
	s17 =	simm.s32 $0x1  }
0x7: {  	s18 =	simm.s32 $0x2;
	s19 =	simm.s32 $0x5070;
	s20 =	simm.s32 $0x50D8  }
0x8: {  	s23 =	simm.s32 $0x0;
	s6 =	sand.u32 $0x1, s4;
	s8 =	smul.u32 $0x2800, s2  }
0x9: {  	s4 =	simm.s32 $0x0;
	s10 =	smul.u32 $0x50000, s2;
	s21 =	sshll.u32 s2, $0x6  }
0xa: {  	s7 =	sshll.u32 s6, $0x4;
	[smem:$0x7FF] =	sst s4;
	s9 =	smul.u32 $0x28000, s6  }
0xb: {  	s6 =	ssub.s32 $0x2, s6;
	s21 =	sor.u32 $0x1C03, s21;
	s7 =	sor.u32 s2, s7  }
0xc: {  	_ =	strace $0x8000004D;
	s30 =	sshrl.u32 s6, $0x1;
	s7 =	smul.u32 $0x514, s7  }
0xd: {  	s31 =	sshrl.u32 s10, $0x2;
	s10 =	simm.s32 $0x3;
	s8 =	sadd.s32 s8, s9  }
0xe: {  	s9 =	ssub.s32 s6, s30;
	s8 =	sadd.s32 s8, s5;
	s7 =	sadd.s32 s7, s5  }
0xf: {  	s5 =	sadd.s32 $0x1800, s7;
	s6 =	sadd.s32 $0xBC00, s7;
	s7 =	sadd.s32 s31, s3  }
0x10: {  	v0 =	vimm.f32 $0.0e+00;
	s9 =	smax.u32 s9, $0x1;
	s8 =	sadd.s32 $0x16000, s8;
	s22 =	sshrl.u32 s7, $0x3  }
.LBB2_1:
0x11: {  	[tilespmem:s4], [sflag:$0x3] =	stream.linear.gather [hbm4b:s5+s4], $0x28A0, $0x38;
	[tilespmem:$0x1FD40] =	vst v63  }
0x12: {  	_ =	swait.ge [sflag:s10], $0x28A0  }
0x13: {  	[sflag:s10] =	ssyncset.done $0x0  }
0x14: {  	[sflag:s10] =	ssyncadd.s32 $0xFFFFD760  }
0x15: {  	[tilespmem:s11], [sflag:$0x3] =	stream.linear.gather [hbm4b:s6+s4], $0x28A0, $0x38;
	[tilespmem:$0x1FD40] =	vst v63  }
0x16: {  	_ =	swait.ge [sflag:s10], $0x28A0  }
0x17: {  	[sflag:s10] =	ssyncset.done $0x0  }
0x18: {  	[sflag:s10] =	ssyncadd.s32 $0xFFFFD760  }
0x19: {  	[tilespmem:s13], [sflag:$0x1] =	stream.indirect.gather [hbm4b:s1+s12], $0x80, s4, s12, $0xb8;
	[tilespmem:$0x1FD40] =	vst v63  }
0x1a: {  	_ = 	snop  }
0x1b: {  	[tilespmem:s15], [sflag:$0x2] =	stream.indirect.gather [hbm4b:s1+s12], $0x80, s14, s12, $0xb8;
	[tilespmem:$0x1FD40] =	vst v63  }
0x1c: {  	[tilespmem:$0xB540] =	vst v0  }
0x1d: {  	[tilespmem:$0xB550] =	vst v0  }
0x1e: {  	[tilespmem:$0xB560] =	vst v0  }
0x1f: {  	[tilespmem:$0xB570] =	vst v0  }
0x20: {  	[tilespmem:$0xB580] =	vst v0  }
0x21: {  	[tilespmem:$0xB590] =	vst v0  }
0x22: {  	[tilespmem:$0xB5A0] =	vst v0  }
0x23: {  	[tilespmem:$0xB5B0] =	vst v0  }
0x24: {  	[tilespmem:$0xB5C0] =	vst v0  }
0x25: {  	[tilespmem:$0xB5D0] =	vst v0  }
0x26: {  	[tilespmem:$0xB5E0] =	vst v0  }
0x27: {  	[tilespmem:$0xB5F0] =	vst v0  }
0x28: {  	[tilespmem:$0xB600] =	vst v0  }
0x29: {  	[tilespmem:$0xB610] =	vst v0  }
0x2a: {  	[tilespmem:$0xB620] =	vst v0  }
0x2b: {  	[tilespmem:$0xB630] =	vst v0  }
0x2c: {  	[tilespmem:$0xB640] =	vst v0  }
0x2d: {  	[tilespmem:$0xB650] =	vst v0  }
0x2e: {  	[tilespmem:$0xB660] =	vst v0  }
0x2f: {  	[tilespmem:$0xB670] =	vst v0  }
0x30: {  	[tilespmem:$0xB680] =	vst v0  }
0x31: {  	[tilespmem:$0xB690] =	vst v0  }
0x32: {  	[tilespmem:$0xB6A0] =	vst v0  }
0x33: {  	[tilespmem:$0xB6B0] =	vst v0  }
0x34: {  	[tilespmem:$0xB6C0] =	vst v0  }
0x35: {  	[tilespmem:$0xB6D0] =	vst v0  }
0x36: {  	[tilespmem:$0xB6E0] =	vst v0  }
0x37: {  	[tilespmem:$0xB6F0] =	vst v0  }
0x38: {  	[tilespmem:$0xB700] =	vst v0  }
0x39: {  	[tilespmem:$0xB710] =	vst v0  }
0x3a: {  	[tilespmem:$0xB720] =	vst v0  }
0x3b: {  	[tilespmem:$0xB730] =	vst v0  }
0x3c: {  	[tilespmem:$0xB740] =	vst v0  }
0x3d: {  	[tilespmem:$0xB750] =	vst v0  }
0x3e: {  	[tilespmem:$0xB760] =	vst v0  }
0x3f: {  	[tilespmem:$0xB770] =	vst v0  }
0x40: {  	[tilespmem:$0xB780] =	vst v0  }
0x41: {  	[tilespmem:$0xB790] =	vst v0  }
0x42: {  	[tilespmem:$0xB7A0] =	vst v0  }
0x43: {  	[tilespmem:$0xB7B0] =	vst v0  }
0x44: {  	[tilespmem:$0xB7C0] =	vst v0  }
0x45: {  	[tilespmem:$0xB7D0] =	vst v0  }
0x46: {  	[tilespmem:$0xB7E0] =	vst v0  }
0x47: {  	[tilespmem:$0xB7F0] =	vst v0  }
0x48: {  	[tilespmem:$0xB800] =	vst v0  }
0x49: {  	[tilespmem:$0xB810] =	vst v0  }
0x4a: {  	[tilespmem:$0xB820] =	vst v0  }
0x4b: {  	[tilespmem:$0xB830] =	vst v0  }
0x4c: {  	[tilespmem:$0xB840] =	vst v0  }
0x4d: {  	[tilespmem:$0xB850] =	vst v0  }
0x4e: {  	[tilespmem:$0xB860] =	vst v0  }
0x4f: {  	[tilespmem:$0xB870] =	vst v0  }
0x50: {  	[tilespmem:$0xB880] =	vst v0  }
0x51: {  	[tilespmem:$0xB890] =	vst v0  }
0x52: {  	[tilespmem:$0xB8A0] =	vst v0  }
0x53: {  	[tilespmem:$0xB8B0] =	vst v0  }
0x54: {  	[tilespmem:$0xB8C0] =	vst v0  }
0x55: {  	[tilespmem:$0xB8D0] =	vst v0  }
0x56: {  	[tilespmem:$0xB8E0] =	vst v0  }
0x57: {  	[tilespmem:$0xB8F0] =	vst v0  }
0x58: {  	[tilespmem:$0xB900] =	vst v0  }
0x59: {  	[tilespmem:$0xB910] =	vst v0  }
0x5a: {  	[tilespmem:$0xB920] =	vst v0  }
0x5b: {  	[tilespmem:$0xB930] =	vst v0  }
0x5c: {  	[tilespmem:$0xB940] =	vst v0  }
0x5d: {  	[tilespmem:$0xB950] =	vst v0  }
0x5e: {  	[tilespmem:$0xB960] =	vst v0  }
0x5f: {  	[tilespmem:$0xB970] =	vst v0  }
0x60: {  	[tilespmem:$0xB980] =	vst v0  }
0x61: {  	[tilespmem:$0xB990] =	vst v0  }
0x62: {  	[tilespmem:$0xB9A0] =	vst v0  }
0x63: {  	[tilespmem:$0xB9B0] =	vst v0  }
0x64: {  	[tilespmem:$0xB9C0] =	vst v0  }
0x65: {  	[tilespmem:$0xB9D0] =	vst v0  }
0x66: {  	[tilespmem:$0xB9E0] =	vst v0  }
0x67: {  	[tilespmem:$0xB9F0] =	vst v0  }
0x68: {  	[tilespmem:$0xBA00] =	vst v0  }
0x69: {  	[tilespmem:$0xBA10] =	vst v0  }
0x6a: {  	[tilespmem:$0xBA20] =	vst v0  }
0x6b: {  	[tilespmem:$0xBA30] =	vst v0  }
0x6c: {  	[tilespmem:$0xBA40] =	vst v0  }
0x6d: {  	[tilespmem:$0xBA50] =	vst v0  }
0x6e: {  	[tilespmem:$0xBA60] =	vst v0  }
0x6f: {  	[tilespmem:$0xBA70] =	vst v0  }
0x70: {  	[tilespmem:$0xBA80] =	vst v0  }
0x71: {  	[tilespmem:$0xBA90] =	vst v0  }
0x72: {  	[tilespmem:$0xBAA0] =	vst v0  }
0x73: {  	[tilespmem:$0xBAB0] =	vst v0  }
0x74: {  	[tilespmem:$0xBAC0] =	vst v0  }
0x75: {  	[tilespmem:$0xBAD0] =	vst v0  }
0x76: {  	[tilespmem:$0xBAE0] =	vst v0  }
0x77: {  	[tilespmem:$0xBAF0] =	vst v0  }
0x78: {  	[tilespmem:$0xBB00] =	vst v0  }
0x79: {  	[tilespmem:$0xBB10] =	vst v0  }
0x7a: {  	[tilespmem:$0xBB20] =	vst v0  }
0x7b: {  	[tilespmem:$0xBB30] =	vst v0  }
0x7c: {  	[tilespmem:$0xBB40] =	vst v0  }
0x7d: {  	[tilespmem:$0xBB50] =	vst v0  }
0x7e: {  	[tilespmem:$0xBB60] =	vst v0  }
0x7f: {  	[tilespmem:$0xBB70] =	vst v0  }
0x80: {  	[tilespmem:$0xBB80] =	vst v0  }
0x81: {  	[tilespmem:$0xBB90] =	vst v0  }
0x82: {  	[tilespmem:$0xBBA0] =	vst v0  }
0x83: {  	[tilespmem:$0xBBB0] =	vst v0  }
0x84: {  	[tilespmem:$0xBBC0] =	vst v0  }
0x85: {  	[tilespmem:$0xBBD0] =	vst v0  }
0x86: {  	[tilespmem:$0xBBE0] =	vst v0  }
0x87: {  	[tilespmem:$0xBBF0] =	vst v0  }
0x88: {  	[tilespmem:$0xBC00] =	vst v0  }
0x89: {  	[tilespmem:$0xBC10] =	vst v0  }
0x8a: {  	[tilespmem:$0xBC20] =	vst v0  }
0x8b: {  	[tilespmem:$0xBC30] =	vst v0  }
0x8c: {  	[tilespmem:$0xBC40] =	vst v0  }
0x8d: {  	[tilespmem:$0xBC50] =	vst v0  }
0x8e: {  	[tilespmem:$0xBC60] =	vst v0  }
0x8f: {  	[tilespmem:$0xBC70] =	vst v0  }
0x90: {  	[tilespmem:$0xBC80] =	vst v0  }
0x91: {  	[tilespmem:$0xBC90] =	vst v0  }
0x92: {  	[tilespmem:$0xBCA0] =	vst v0  }
0x93: {  	[tilespmem:$0xBCB0] =	vst v0  }
0x94: {  	[tilespmem:$0xBCC0] =	vst v0  }
0x95: {  	[tilespmem:$0xBCD0] =	vst v0  }
0x96: {  	[tilespmem:$0xBCE0] =	vst v0  }
0x97: {  	[tilespmem:$0xBCF0] =	vst v0  }
0x98: {  	[tilespmem:$0xBD00] =	vst v0  }
0x99: {  	[tilespmem:$0xBD10] =	vst v0  }
0x9a: {  	[tilespmem:$0xBD20] =	vst v0  }
0x9b: {  	s24 =	sadd.s32 $0x0, s7;
	[tilespmem:$0xBD30] =	vst v0  }
0x9c: {  	[spmem:s24] =	stream.linear.scatter [tilespmem:s16], [sflag:$0x3], $0x800, $0x38;
	[tilespmem:$0x1FD40] =	vst v63  }
0x9d: {  	s24 =	simm.s32 $0x2000;
	_ =	swait.ge [sflag:s10], $0x800  }
.LBB2_2:
0x9e: {  	s25 =	sshra.s32 s24, $0x2;
	[sflag:s10] =	ssyncset.done $0x0;
	p0 =	sne.s32 s24, $0x4E000  }
.Ltmp0:
0x9f: {  	s25 =	sadd.s32 s25, s7;
	[sflag:s10] =	ssyncadd.s32 $0xFFFFF800;
	(pc) =	sbr.rel @p0 .LBB2_2-.Ltmp0, $3  }
0xa0: {  	[spmem:s25] =	stream.linear.scatter [tilespmem:s16], [sflag:$0x3], $0x800, $0x38;
	[tilespmem:$0x1FD40] =	vst v63  }
0xa1: {  	s24 =	sadd.s32 $0x2000, s24;
	_ =	sdelay $0x1  }
0xa2: {  	_ =	swait.ge [sflag:s10], $0x800  }
0xa3: {  	[sflag:s10] =	ssyncset.done $0x0  }
0xa4: {  	[sflag:s10] =	ssyncadd.s32 $0xFFFFF800  }
0xa5: {  	[bflag:$0x0] =	sbarrier.arrive $0xFFFF  }
0xa6: {  	_ =	swait.ge [sflag:s17], $0x3200  }
0xa7: {  	[sflag:s17] =	ssyncset.done $0x0  }
0xa8: {  	s24 =	simm.s32 $0x28A0;
	[sflag:s17] =	ssyncadd.s32 $0xFFFFCE00  }
0xa9: {  	[spmem:s3] =	stream.indirect.scatter.add.f32 [tilespmem:s13], [sflag:$0x3], $0x80, s24, s12, $0xb8;
	[tilespmem:$0x1FD40] =	vst v63  }
0xaa: {  	_ =	swait.ge [sflag:s10], $0x3200  }
0xab: {  	[sflag:s10] =	ssyncset.done $0x0  }
0xac: {  	s30 =	simm.s32 $0xD0;
	[sflag:s10] =	ssyncadd.s32 $0xFFFFCE00  }
0xad: {  	[tilespmem:s13], [sflag:$0x1] =	stream.indirect.gather [hbm4b:s1+s12], $0x80, s30, s12, $0xb8;
	[tilespmem:$0x1FD40] =	vst v63  }
0xae: {  	_ =	swait.ge [sflag:s18], $0x3200  }
0xaf: {  	[sflag:s18] =	ssyncset.done $0x0  }
0xb0: {  	s31 =	simm.s32 $0x2908;
	[sflag:s18] =	ssyncadd.s32 $0xFFFFCE00  }
0xb1: {  	[spmem:s3] =	stream.indirect.scatter.add.f32 [tilespmem:s15], [sflag:$0x3], $0x80, s31, s12, $0xb8;
	[tilespmem:$0x1FD40] =	vst v63  }
0xb2: {  	_ =	swait.ge [sflag:s10], $0x3200  }
0xb3: {  	[sflag:s10] =	ssyncset.done $0x0  }
0xb4: {  	s25 =	simm.s32 $0x138;
	s24 =	simm.s32 $0x340;
	[sflag:s10] =	ssyncadd.s32 $0xFFFFCE00  }
.LBB2_4:
0xb5: {  	[tilespmem:s15], [sflag:$0x2] =	stream.indirect.gather [hbm4b:s1+s12], $0x80, s25, s12, $0xb8;
	[tilespmem:$0x1FD40] =	vst v63  }
0xb6: {  	s25 =	smov.u32 s24  }
0xb7: {  	p0 =	sne.s32 s24, $0x9C00;
	s24 =	sadd.s32 $0x340, s24;
	_ =	swait.ge [sflag:s17], $0x3200  }
0xb8: {  	s25 =	sshra.s32 s25, $0x2;
	[sflag:s17] =	ssyncset.done $0x0  }
0xb9: {  	s26 =	sadd.s32 $0x28A0, s25;
	[sflag:s17] =	ssyncadd.s32 $0xFFFFCE00  }
0xba: {  	[spmem:s3] =	stream.indirect.scatter.add.f32 [tilespmem:s13], [sflag:$0x3], $0x80, s26, s12, $0xb8;
	[tilespmem:$0x1FD40] =	vst v63  }
0xbb: {  	_ =	swait.ge [sflag:s10], $0x3200  }
0xbc: {  	[sflag:s10] =	ssyncset.done $0x0  }
0xbd: {  	s26 =	sadd.s32 $0xD0, s25;
	[sflag:s10] =	ssyncadd.s32 $0xFFFFCE00  }
0xbe: {  	[tilespmem:s13], [sflag:$0x1] =	stream.indirect.gather [hbm4b:s1+s12], $0x80, s26, s12, $0xb8;
	[tilespmem:$0x1FD40] =	vst v63  }
0xbf: {  	_ =	swait.ge [sflag:s18], $0x3200  }
0xc0: {  	[sflag:s18] =	ssyncset.done $0x0  }
.Ltmp1:
0xc1: {  	s26 =	sadd.s32 $0x2908, s25;
	[sflag:s18] =	ssyncadd.s32 $0xFFFFCE00;
	(pc) =	sbr.rel @p0 .LBB2_4-.Ltmp1, $4  }
0xc2: {  	[spmem:s3] =	stream.indirect.scatter.add.f32 [tilespmem:s15], [sflag:$0x3], $0x80, s26, s12, $0xb8;
	[tilespmem:$0x1FD40] =	vst v63  }
0xc3: {  	_ =	swait.ge [sflag:s10], $0x3200  }
0xc4: {  	[sflag:s10] =	ssyncset.done $0x0  }
0xc5: {  	s25 =	sadd.s32 $0x138, s25;
	[sflag:s10] =	ssyncadd.s32 $0xFFFFCE00  }
0xc6: {  	[tilespmem:s15], [sflag:$0x2] =	stream.indirect.gather [hbm4b:s1+s12], $0x80, s25, s12, $0xb8;
	[tilespmem:$0x1FD40] =	vst v63  }
0xc7: {  	_ =	swait.ge [sflag:s17], $0x3200  }
0xc8: {  	[sflag:s17] =	ssyncset.done $0x0  }
0xc9: {  	[sflag:s17] =	ssyncadd.s32 $0xFFFFCE00  }
0xca: {  	[spmem:s3] =	stream.indirect.scatter.add.f32 [tilespmem:s13], [sflag:$0x3], $0x80, s19, s12, $0xb8;
	[tilespmem:$0x1FD40] =	vst v63  }
0xcb: {  	_ =	swait.ge [sflag:s10], $0x3200  }
0xcc: {  	[sflag:s10] =	ssyncset.done $0x0  }
0xcd: {  	[sflag:s10] =	ssyncadd.s32 $0xFFFFCE00  }
0xce: {  	_ =	swait.ge [sflag:s18], $0x3200  }
0xcf: {  	[sflag:s18] =	ssyncset.done $0x0  }
0xd0: {  	[sflag:s18] =	ssyncadd.s32 $0xFFFFCE00  }
0xd1: {  	[spmem:s3] =	stream.indirect.scatter.add.f32 [tilespmem:s15], [sflag:$0x3], $0x80, s20, s12, $0xb8;
	[tilespmem:$0x1FD40] =	vst v63  }
0xd2: {  	_ =	swait.ge [sflag:s10], $0x3200  }
0xd3: {  	s23 =	sadd.s32 $0x1, s23;
	[sflag:s10] =	ssyncset.done $0x0  }
0xd4: {  	p0 =	sne.s32 s23, s9;
	[sflag:s10] =	ssyncadd.s32 $0xFFFFCE00  }
.Ltmp2:
0xd5: {  	[bflag:$0x0] =	sbarrier.arrive $0xFFFF;
	(pc) =	sbr.rel @p0 .LBB2_1-.Ltmp2, $4  }
0xd6: {  	[hbm:s8], [sflag:s21] =	dma.local [spmem:s22], $0x2800  }
0xd7: {  	_ =	swait.ge [sflag:s10], $0x2800  }
0xd8: {  	[sflag:s10] =	ssyncset.done $0x0  }
0xd9: {  	[sflag:s10] =	ssyncadd.s32 $0xFFFFD800  }
0xda: {  	_ =	sfence.sel $0x180000  }
0xdb: {  	[bflag:$0x0] =	sbarrier.arrive $0xFFFF  }
0xdc: {  	p0 =	sne.s32 s2, $0x0;
	_ =	strace $0x9000004D  }
0xdd: {  	s0 =	sadd.s32 @!p0 $0x100000, s0;
	[bflag:$0x2] =	sbarrier.arrive $0xFFFF  }
0xde: {  	[sflag:s0] =	ssyncadd.tile.s32 @!p0 $0x1;
	_ =	shalt  }
.Lfunc_end2:
_tile_overlayer_lowered:
.L_overlay_start_2:
0xdf: {  	(tag) =	ssettag $0x2  }
0xe0: {  	s0 =	rddreg [dreg:$0x0];
	s2 =	stileid.u32  }
0xe1: {  	s1 =	rddreg [dreg:$0x1];
	p0 =	sne.s32 s2, $0x0  }
0xe2: {  	s3 =	rddreg [dreg:$0x2];
	[bflag:$0x3] =	sbarrier.arrive $0xFFFF;
	s2 =	simm.s32 @!p0 $0x1C03  }
0xe3: {  	[timem:s3], [sflag:s2] =	dma.local @!p0 [hbm:s0], s1  }
0xe4: {  	s0 =	simm.s32 @!p0 $0x3  }
0xe5: {  	_ =	swait.ge @!p0 [sflag:s0], s1  }
0xe6: {  	s1 =	ssub.s32 @!p0 $0x0, s1;
	[sflag:s0] =	ssyncset.done @!p0 $0x0  }
0xe7: {  	[sflag:s0] =	ssyncadd.s32 @!p0 s1  }
0xe8: {  	[bflag:$0x3] =	sbarrier.arrive $0xFFFF  }
0xe9: {  	_ =	shalt  }

// kernel: kernel.8.cloned.1.call-start
scs
__scs_entry_jumppad:
0x0: {  	(pc) =	sbr.rel $0x88, $3  }
0x1: {  	(tag) =	ssettag $0x0;
	lr =	simm.s32 $0x1  }
0x2: {  	[smem:$0x3F9B] =	sst lr;
	_ =	strace $0xD0000000  }
0x3: {  	_ = 	snop  }
0x4: {  	_ = 	snop  }
0x5: {  	_ = 	snop  }
0x6: {  	_ = 	snop  }
0x7: {  	_ = 	snop  }
__scs_overlays_trampoline_lowered:
0x8: {  	[smem:$0x3FAA] =	sst s0  }
0x9: {  	[smem:$0x3FAB] =	sst s1  }
0xa: {  	[smem:$0x3FAC] =	sst s2  }
0xb: {  	[smem:$0x3FAD] =	sst s3  }
0xc: {  	[smem:$0x3FAE] =	sst s4  }
0xd: {  	[smem:$0x3FAF] =	sst s5  }
0xe: {  	[smem:$0x3FB0] =	sst s6  }
0xf: {  	[smem:$0x3FB1] =	sst s7  }
0x10: {  	[smem:$0x3FB2] =	sst s8  }
0x11: {  	[smem:$0x3FB3] =	sst s9;
	s0 =	simm.s32 @!p0 $0x0  }
0x12: {  	s1 =	sld [smem:$0x3F99];
	s0 =	simm.s32 @p0 $0x1  }
0x13: {  	[smem:$0x3FB4] =	sst s0;
	s0 =	simm.s32 @!p1 $0x0  }
0x14: {  	s2 =	sld [smem:$0x3F98];
	s0 =	simm.s32 @p1 $0x1  }
0x15: {  	[smem:$0x3FB5] =	sst s0;
	s0 =	simm.s32 @!p2 $0x0  }
0x16: {  	s3 =	sld [smem:$0x3FDB];
	s0 =	simm.s32 @p2 $0x1  }
0x17: {  	s4 =	simm.s32 $0x1BF5;
	[smem:$0x3FB7] =	sst s0  }
0x18: {  	s0 =	sld [smem:$0x3F9A];
	_ =	swait.ge [sflag:s4], $0x0  }
0x19: {  	s7 =	sld [smem:$0x3F9B]  }
0x1a: {  	s8 =	sadd.s32 $0xFFFFE003, lr  }
0x1b: {  	s9 =	sadd.s32 $0xFFFFFEF7, lr;
	s5 =	simm.s32 $0xFFFFFFFF;
	p2 =	slt.u32 s8, $0xFFFFF086  }
0x1c: {  	p1 =	slt.u32 s9, $0xF7A;
	s5 =	simm.s32 @!p2 $0x0  }
0x1d: {  	s5 =	simm.s32 @p1 $0x1;
	p0 =	seq.s32 s7, s2  }
0x1e: {  	s7 =	smul.u32 @!p0 $0xF7A, s2;
	p2 =	seq.s32 @!p0 s5, $0x0  }
0x1f: {  	s9 =	smul.u32 $0xF7A, s1;
	s8 =	simm.s32 @!p0 $0x1BF5;
	p2 =	por !p2, p0  }
0x20: {  	[sflag:s8] =	ssyncset.s32 @!p0 $0xFFFFF086;
	s6 =	sadd.s32 @!p0 s3, s7;
	s7 =	simm.s32 @!p0 $0x108  }
0x21: {  	s3 =	sadd.s32 s3, s9;
	s6 =	sadd.s32 @!p0 $0x88, s6;
	s7 =	simm.s32 @p2 $0x1082  }
0x22: {  	[simem:s7], [sflag:s8] =	dma.local @!p0 [hbm:s6], $0xF7A  }
0x23: {  	s9 =	sor.u32 $0xD0000000, s2;
	s6 =	simm.s32 $0x108;
	_ =	swait.ge @!p0 [sflag:s8], $0x0  }
0x24: {  	s3 =	sadd.s32 $0x88, s3;
	s6 =	simm.s32 @!p1 $0x1082;
	[sflag:s4] =	ssyncset.s32 $0xFFFFF086  }
0x25: {  	[simem:s6], [sflag:s4] =	dma.local [hbm:s3], $0xF7A  }
0x26: {  	[smem:$0x3F9B] =	sst s1;
	(tag) =	ssettag s2;
	_ =	strace s9  }
0x27: {  	s1 =	sld [smem:$0x3FAB]  }
0x28: {  	s2 =	sld [smem:$0x3FAC]  }
0x29: {  	s4 =	sld [smem:$0x3FAE]  }
0x2a: {  	p0 =	seq.s32 s5, $0x0;
	s5 =	sld [smem:$0x3FAF]  }
0x2b: {  	s6 =	sld [smem:$0x3FB0]  }
0x2c: {  	s7 =	sld [smem:$0x3FB1]  }
0x2d: {  	s3 =	simm.s32 $0x108;
	s8 =	sld [smem:$0x3FB2]  }
0x2e: {  	s3 =	simm.s32 @!p0 $0x1082;
	s9 =	sld [smem:$0x3FB3]  }
0x2f: {  	lr =	sadd.s32 s0, s3;
	s0 =	sld [smem:$0x3FAA]  }
0x30: {  	s3 =	sld [smem:$0x3FAD]  }
0x31: {  	[smem:$0x3FB6] =	sst s10  }
0x32: {  	s10 =	sld [smem:$0x3FB4];
	_ =	sdelay $0x3  }
0x33: {  	p0 =	seq.s32 s10, $0x1;
	s10 =	sld [smem:$0x3FB6];
	_ =	sdelay $0x3  }
0x34: {  	[smem:$0x3FB6] =	sst s10  }
0x35: {  	s10 =	sld [smem:$0x3FB5];
	_ =	sdelay $0x3  }
0x36: {  	p1 =	seq.s32 s10, $0x1;
	s10 =	sld [smem:$0x3FB6];
	_ =	sdelay $0x3  }
0x37: {  	[smem:$0x3FB6] =	sst s10  }
0x38: {  	s10 =	sld [smem:$0x3FB7]  }
0x39: {  	_ = 	snop;
	(pc) =	sbr.ind lr, $3  }
0x3a: {  	_ = 	snop  }
0x3b: {  	_ = 	snop  }
0x3c: {  	p2 =	seq.s32 s10, $0x1;
	s10 =	sld [smem:$0x3FB6]  }
0x3d: {  	_ =	shalt  }
0x3e: {  	_ =	shalt  }
0x3f: {  	_ =	shalt  }
0x40: {  	_ =	shalt  }
0x41: {  	_ =	shalt  }
0x42: {  	_ =	shalt  }
0x43: {  	_ =	shalt  }
0x44: {  	_ =	shalt  }
0x45: {  	_ =	shalt  }
0x46: {  	_ =	shalt  }
0x47: {  	_ =	shalt  }
0x48: {  	_ =	shalt  }
0x49: {  	_ =	shalt  }
0x4a: {  	_ =	shalt  }
0x4b: {  	_ =	shalt  }
0x4c: {  	_ =	shalt  }
0x4d: {  	_ =	shalt  }
0x4e: {  	_ =	shalt  }
0x4f: {  	_ =	shalt  }
0x50: {  	_ =	shalt  }
0x51: {  	_ =	shalt  }
0x52: {  	_ =	shalt  }
0x53: {  	_ =	shalt  }
0x54: {  	_ =	shalt  }
0x55: {  	_ =	shalt  }
0x56: {  	_ =	shalt  }
0x57: {  	_ =	shalt  }
0x58: {  	_ =	shalt  }
0x59: {  	_ =	shalt  }
0x5a: {  	_ =	shalt  }
0x5b: {  	_ =	shalt  }
0x5c: {  	_ =	shalt  }
0x5d: {  	_ =	shalt  }
0x5e: {  	_ =	shalt  }
0x5f: {  	_ =	shalt  }
0x60: {  	_ =	shalt  }
0x61: {  	_ =	shalt  }
0x62: {  	_ =	shalt  }
0x63: {  	_ =	shalt  }
0x64: {  	_ =	shalt  }
0x65: {  	_ =	shalt  }
0x66: {  	_ =	shalt  }
0x67: {  	_ =	shalt  }
0x68: {  	_ =	shalt  }
0x69: {  	_ =	shalt  }
0x6a: {  	_ =	shalt  }
0x6b: {  	_ =	shalt  }
0x6c: {  	_ =	shalt  }
0x6d: {  	_ =	shalt  }
0x6e: {  	_ =	shalt  }
0x6f: {  	_ =	shalt  }
0x70: {  	_ =	shalt  }
0x71: {  	_ =	shalt  }
0x72: {  	_ =	shalt  }
0x73: {  	_ =	shalt  }
0x74: {  	_ =	shalt  }
0x75: {  	_ =	shalt  }
0x76: {  	_ =	shalt  }
0x77: {  	_ =	shalt  }
0x78: {  	_ =	shalt  }
0x79: {  	_ =	shalt  }
0x7a: {  	_ =	shalt  }
0x7b: {  	_ =	shalt  }
0x7c: {  	_ =	shalt  }
0x7d: {  	_ =	shalt  }
0x7e: {  	_ =	shalt  }
0x7f: {  	_ =	shalt  }
0x80: {  	_ =	shalt  }
0x81: {  	_ =	shalt  }
0x82: {  	_ =	shalt  }
0x83: {  	_ =	shalt  }
0x84: {  	_ =	shalt  }
0x85: {  	_ =	shalt  }
0x86: {  	_ =	shalt  }
0x87: {  	_ =	shalt  }
.Lfunc_end0:
.L_simem_size_0:
called_computation_lowered:
.L_overlay_start_0:
0x88: {  	s2 =	sld [smem:$0x3FD9]  }
0x89: {  	s3 =	sld [smem:$0x3FFE];
	_ =	sdelay $0x1  }
0x8a: {  	s1 =	srdreg.scid  }
0x8b: {  	s0 =	sand.u32 $0x1, s1  }
0x8c: {  	s15 =	sshll.u32 s0, $0xA;
	s2 =	sadd.s32 s3, s2  }
0x8d: {  	s2 =	sadd.s32 s2, s15  }
0x8e: {  	[smem:$0x3FC2] =	sst s2  }
0x8f: {  	_ = 	snop  }
0x90: {  	s2 =	sld [smem:$0x3FD0];
	_ =	sdelay $0x2  }
0x91: {  	s16 =	simm.s32 $0xA;
	s4 =	simm.s32 $0x10  }
0x92: {  	[smem:s4], [sflag:s16] =	dma.local [hbm:s2], $0x1  }
0x93: {  	_ =	swait.eq [sflag:s16], $0x1  }
0x94: {  	[sflag:s16] =	ssyncset.done $0x0  }
0x95: {  	s17 =	sld [smem:$0x10];
	[sflag:s16] =	ssyncadd.s32 $0xFFFFFFFF  }
0x96: {  	s18 =	sld [smem:$0x11];
	(tm) =	ssettm $0x1  }
0x97: {  	s19 =	sld [smem:$0x3FFB];
	_ =	sdelay $0x3  }
0x98: {  	_ =	strace s19  }
0x99: {  	s4 =	sld [smem:$0x3FFC];
	_ =	sdelay $0x3  }
0x9a: {  	_ =	strace s4  }
0x9b: {  	s4 =	sld [smem:$0x3FFD];
	_ =	sdelay $0x3  }
0x9c: {  	_ =	strace s4  }
0x9d: {  	_ =	strace $0x8FFFFFFF  }
0x9e: {  	s20 =	sld [smem:$0x3FDB];
	_ =	sdelay $0x1  }
0x9f: {  	s5 =	simm.s32 $_scs_section_size  }
0xa0: {  	s6 =	simm.s32 $_size__tile_overlayer_lowered;
	s7 =	simm.s32 $_tile_overlayer_lowered  }
0xa1: {  	s23 =	simm.s32 $0x1BFF;
	s22 =	sshll.u32 s7, $0x1;
	s4 =	sadd.s32 s5, s20  }
0xa2: {  	s8 =	simm.s32 $0x0;
	s21 =	sshll.u32 s6, $0x1;
	s6 =	sadd.s32 s22, s4  }
0xa3: {  	[timem:s8], [sflag:s23] =	dma.local [hbm:s6], s21  }
0xa4: {  	_ =	swait.ge [sflag:s23], s21  }
0xa5: {  	s5 =	ssub.s32 $0x0, s21;
	[sflag:s23] =	ssyncset.done $0x0  }
0xa6: {  	[sflag:s23] =	ssyncadd.s32 s5;
	_ =	sdelay $0x1  }
0xa7: {  	s24 =	simm.s32 $0x1B8B  }
0xa8: {  	_ =	swait.ge [sflag:s24], $0x1  }
0xa9: {  	[sflag:s24] =	ssyncset.done $0x0  }
0xaa: {  	s25 =	simm.s32 $0x1B8E;
	[sflag:s24] =	ssyncadd.s32 $0xFFFFFFFF  }
0xab: {  	s26 =	simm.s32 $execute0_lowered;
	[smem:$0x3FD2] =	sst s25  }
0xac: {  	s5 =	sshll.u32 s26, $0x1;
	_ =	strace $0x80000046;
	[dreg:$0x1] =	wrdreg $0xFFFFFFFF  }
0xad: {  	s28 =	simm.s32 $_size_execute0_lowered;
	s4 =	sadd.s32 s4, s5;
	[dreg:$0x0] =	wrdreg $0x0  }
0xae: {  	s5 =	sshll.u32 s28, $0x1;
	[dreg:$0x2] =	wrdreg s4  }
0xaf: {  	[dreg:$0x3] =	wrdreg s5  }
0xb0: {  	[dreg:$0x4] =	wrdreg $0xC0  }
0xb1: {  	_ =	task [dreg:s8], $0x5FFFF  }
0xb2: {  	[dreg:$0x1] =	wrdreg $0xFFFFFFFF  }
0xb3: {  	[dreg:$0x0] =	wrdreg $0x60  }
0xb4: {  	[dreg:$0x2] =	wrdreg s18  }
0xb5: {  	[dreg:$0x3] =	wrdreg s17  }
0xb6: {  	[dreg:$0x4] =	wrdreg $0x55800  }
0xb7: {  	[dreg:$0x5] =	wrdreg $0x9  }
0xb8: {  	_ =	task.clear_ibuf [dreg:s8], $0x6FFFF;
	_ =	strace $0x90000046  }
0xb9: {  	s29 =	simm.s32 $0x9;
	_ =	strace $0x80000048  }
0xba: {  	_ =	swait.ge [sflag:s29], $0x1  }
0xbb: {  	[sflag:s29] =	ssyncadd.s32 $0xFFFFFFFF  }
0xbc: {  	_ =	strace $0x90000048  }
0xbd: {  	_ =	sfence  }
0xbe: {  	s30 =	sld [smem:$0x0];
	_ =	sdelay $0x2  }
0xbf: {  	s31 =	sshll.u32 s1, $0xD;
	s1 =	sshrl.u32 s1, $0x2  }
0xc0: {  	s3 =	sand.u32 $0x4000, s31;
	s1 =	sadd.s32 s1, s30  }
0xc1: {  	s0 =	sor.u32 s3, s0;
	s1 =	sshll.u32 s1, $0x11  }
0xc2: {  	s0 =	sor.u32 s1, s0  }
0xc3: {  	s0 =	sadd.s32 $0x8F2B, s0  }
0xc4: {  	[sflag:s0] =	ssyncadd.remote.s32 $0x1  }
0xc5: {  	_ =	sfence.sel $0xFFFF  }
0xc6: {  	[dreg:$0x0] =	wrdreg $0xFFFFFFFF;
	(pc) =	sbr.abs _section_cstart, $3  }
0xc7: {  	[dreg:$0x1] =	wrdreg $0xFFFFFFFF  }
0xc8: {  	_ =	task.clear_ibuf [dreg:s8], $0x2FFFF;
	_ =	strace $0x9FFFFFFF  }
0xc9: {  	(tm) =	ssettm $0x7FFFFFFF  }
tec
execute0_lowered:
.L_overlay_start_1:
0x0: {  	(tag) =	ssettag $0x1  }
0x1: {  	s5 =	rddreg [dreg:$0x0]  }
0x2: {  	s6 =	rddreg [dreg:$0x1]  }
0x3: {  	s2 =	rddreg [dreg:$0x2];
	s3 =	srdreg.scid  }
0x4: {  	s0 =	rddreg [dreg:$0x3];
	s1 =	stileid.u32;
	s11 =	simm.s32 $0x5000  }
0x5: {  	s4 =	sand.u32 $0x1, s3;
	s3 =	simm.s32 $0x0;
	s8 =	smul.u32 $0x500, s1  }
0x6: {  	s12 =	sshll.u32 s1, $0x6;
	s7 =	sshll.u32 s4, $0x4;
	s9 =	ssub.s32 $0x2, s4  }
0x7: {  	s4 =	smul.u32 $0x5000, s4;
	[smem:$0x7FF] =	sst s3;
	s12 =	sor.u32 $0x1C01, s12  }
0x8: {  	s7 =	sor.u32 s1, s7;
	s10 =	sshrl.u32 s9, $0x1;
	_ =	strace $0x80000047  }
0x9: {  	s7 =	smul.u32 $0xA00, s7;
	s9 =	ssub.s32 s9, s10;
	s30 =	sadd.s32 s8, s4  }
0xa: {  	s4 =	sadd.s32 s8, s2;
	s8 =	simm.s32 $0x5080;
	s10 =	simm.s32 $0x80  }
0xb: {  	s31 =	sshrl.u32 s30, $0x3;
	s13 =	sshrl.u32 s4, $0x3;
	s5 =	sadd.s32 s5, s7  }
0xc: {  	v0 =	vimm.f32 $1.000000000e+00;
	v1 =	vimm.f32 $0.0e+00;
	s6 =	sadd.s32 s6, s31;
	s7 =	smax.u32 s9, $0x1;
	s9 =	simm.s32 $0x1  }
.LBB2_1:
0xd: {  	[tilespmem:$0x5000] =	vst v0  }
0xe: {  	[tilespmem:$0x5010] =	vst v0  }
0xf: {  	[tilespmem:$0x5020] =	vst v0  }
0x10: {  	[tilespmem:$0x5030] =	vst v0  }
0x11: {  	[tilespmem:$0x5040] =	vst v0  }
0x12: {  	[tilespmem:$0x5050] =	vst v0  }
0x13: {  	[tilespmem:$0x5060] =	vst v0  }
0x14: {  	[tilespmem:$0x5070] =	vst v0;
	s14 =	simm.s32 $0x40;
	s15 =	simm.s32 $0x0  }
.LBB2_2:
0x15: {  	p0 =	sne.s32 s14, $0x13C0;
	[tilespmem:s15+$0x5080] =	vst v1;
	s15 =	smov.u32 s14;
	s14 =	sadd.s32 $0x40, s14  }
.Ltmp0:
0x16: {  	(pc) =	sbr.rel @p0 .LBB2_2-.Ltmp0, $2  }
0x17: {  	_ =	sdelay $0x2  }
0x18: {  	s15 =	sshra.s32 s15, $0x2  }
0x19: {  	[tilespmem:s15+$0x5080] =	vst v1  }
0x1a: {  	[spmem:s4] =	stream.linear.scatter [tilespmem:s8], [sflag:$0x1], $0x500, $0x38;
	[tilespmem:$0x5A80] =	vst v63  }
0x1b: {  	_ =	swait.ge [sflag:s9], $0x500  }
0x1c: {  	[sflag:s9] =	ssyncset.done $0x0  }
0x1d: {  	s14 =	simm.s32 $0x0;
	[sflag:s9] =	ssyncadd.s32 $0xFFFFFB00  }
0x1e: {  	[tilespmem:s14], [sflag:$0x1] =	stream.linear.gather [hbm4b:s5+s14], $0x5000, $0x38;
	[tilespmem:$0x5A80] =	vst v63  }
0x1f: {  	_ =	swait.ge [sflag:s9], $0x5000  }
0x20: {  	[sflag:s9] =	ssyncset.done $0x0  }
0x21: {  	[sflag:s9] =	ssyncadd.s32 $0xFFFFB000  }
0x22: {  	s31 =	simm.s32 $0x0;
	[bflag:$0x0] =	sbarrier.arrive $0xFFFF  }
0x23: {  	[spmem:s2] =	stream.indirect.scatter.add.f32 [tilespmem:s11], [sflag:$0x1], $0x1, s31, s10, $0xb8;
	[tilespmem:$0x5A80] =	vst v63  }
0x24: {  	_ =	swait.ge [sflag:s9], $0x80  }
0x25: {  	s14 =	simm.s32 $0x200;
	[sflag:s9] =	ssyncset.done $0x0  }
.LBB2_4:
0x26: {  	s15 =	sshra.s32 s14, $0x2;
	[sflag:s9] =	ssyncadd.s32 $0xFFFFFF80;
	p0 =	sne.s32 s14, $0x13E00  }
0x27: {  	[spmem:s2] =	stream.indirect.scatter.add.f32 [tilespmem:s11], [sflag:$0x1], $0x1, s15, s10, $0xb8;
	[tilespmem:$0x5A80] =	vst v63  }
.Ltmp1:
0x28: {  	_ = 	snop;
	(pc) =	sbr.rel @p0 .LBB2_4-.Ltmp1, $4  }
0x29: {  	_ = 	snop  }
0x2a: {  	s14 =	sadd.s32 $0x200, s14  }
0x2b: {  	_ =	swait.ge [sflag:s9], $0x80  }
0x2c: {  	[sflag:s9] =	ssyncset.done $0x0  }
0x2d: {  	s3 =	sadd.s32 $0x1, s3  }
0x2e: {  	[sflag:s9] =	ssyncadd.s32 $0xFFFFFF80;
	p0 =	sne.s32 s3, s7  }
.Ltmp2:
0x2f: {  	[bflag:$0x0] =	sbarrier.arrive $0xFFFF;
	(pc) =	sbr.rel @p0 .LBB2_1-.Ltmp2, $4  }
0x30: {  	[hbm:s6], [sflag:s12] =	dma.local [spmem:s13], $0xA0  }
0x31: {  	_ =	swait.ge [sflag:s9], $0xA0  }
0x32: {  	[sflag:s9] =	ssyncset.done $0x0  }
0x33: {  	[sflag:s9] =	ssyncadd.s32 $0xFFFFFF60  }
0x34: {  	_ =	sfence.sel $0x180000  }
0x35: {  	[bflag:$0x0] =	sbarrier.arrive $0xFFFF  }
0x36: {  	p0 =	sne.s32 s1, $0x0;
	_ =	strace $0x90000047  }
0x37: {  	s0 =	sadd.s32 @!p0 $0x100000, s0;
	[bflag:$0x2] =	sbarrier.arrive $0xFFFF  }
0x38: {  	[sflag:s0] =	ssyncadd.tile.s32 @!p0 $0x1;
	_ =	shalt  }
.Lfunc_end2:
_tile_overlayer_lowered:
.L_overlay_start_2:
0x39: {  	(tag) =	ssettag $0x2  }
0x3a: {  	s0 =	rddreg [dreg:$0x0];
	s2 =	stileid.u32  }
0x3b: {  	s1 =	rddreg [dreg:$0x1];
	p0 =	sne.s32 s2, $0x0  }
0x3c: {  	s3 =	rddreg [dreg:$0x2];
	[bflag:$0x3] =	sbarrier.arrive $0xFFFF;
	s2 =	simm.s32 @!p0 $0x1C01  }
0x3d: {  	[timem:s3], [sflag:s2] =	dma.local @!p0 [hbm:s0], s1  }
0x3e: {  	s0 =	simm.s32 @!p0 $0x1  }
0x3f: {  	_ =	swait.ge @!p0 [sflag:s0], s1  }
0x40: {  	s1 =	ssub.s32 @!p0 $0x0, s1;
	[sflag:s0] =	ssyncset.done @!p0 $0x0  }
0x41: {  	[sflag:s0] =	ssyncadd.s32 @!p0 s1  }
0x42: {  	[bflag:$0x3] =	sbarrier.arrive $0xFFFF  }
0x43: {  	_ =	shalt  }

</sc_bundles>
